<compile_context>
chip_gen: v7x
topology: tpu7x:2x2x1
jax: 0.10.2.dev20260603
libtpu: 0.0.44.dev20260713+nightly
codegen_flags: <defaults>
</compile_context>

<pallas_src>
import functools

import jax
import jax.numpy as jnp
from jax import lax
from jax.experimental import pallas as pl
from jax.experimental.pallas import tpu as pltpu
from jax.experimental.pallas import tpu_sc as plsc

_NC = 2
_NS = 16
_NW = _NC * _NS
_LANES = 16
_CHUNK = 128
_NBUF = 6
_ACC_ROWS = 2048 + 128


def _seg_sum_call(n_atoms, d, n_mol):
    m_per_core = n_mol // _NC
    m_per_tile = m_per_core // _NS
    zero_rows = _ACC_ROWS // _NS

    mesh = plsc.VectorSubcoreMesh(
        core_axis_name="c", subcore_axis_name="s",
        num_cores=_NC, num_subcores=_NS)

    @functools.partial(
        pl.kernel,
        out_type=jax.ShapeDtypeStruct((n_mol, d), jnp.float32),
        mesh=mesh,
        scratch_types=[
            pltpu.VMEM((48,), jnp.int32),
            pltpu.VMEM((_NBUF * _CHUNK,), jnp.int32),
            pltpu.VMEM((_NBUF, _CHUNK, d), jnp.float32),
            pltpu.VMEM((_NBUF, 128), jnp.int32),
            pltpu.VMEM_SHARED((_ACC_ROWS, d), jnp.float32),
            pltpu.SemaphoreType.DMA((_NBUF,)),
            pltpu.SemaphoreType.DMA((_NBUF,)),
        ],
    )
    def seg_sum(e_hbm, batch_hbm, bounds_hbm, out_hbm,
                bounds_v, ids_v, rows_v, idx_v, acc_sp, sems, scat_sems):
        core = lax.axis_index("c")
        tid = lax.axis_index("s")
        pltpu.sync_copy(bounds_hbm, bounds_v)
        cb0 = bounds_v[pl.ds(core * _NS, 16)][0]
        cb1 = bounds_v[pl.ds((core + 1) * _NS, 16)][0]
        clen = cb1 - cb0
        t0 = cb0 + (clen * tid) // _NS
        t1 = cb0 + (clen * (tid + 1)) // _NS
        m0 = core * m_per_core

        zeros = jnp.zeros((_LANES,), jnp.float32)
        lanes = lax.iota(jnp.int32, _LANES)

        base = t0 & ~7
        n_chunks = (t1 - base + _CHUNK - 1) // _CHUNK

        def chunk_refs(g):
            slot = g % _NBUF
            raw_start = base + g * _CHUNK
            start = pl.multiple_of(
                jnp.minimum(raw_start, n_atoms - _CHUNK), 8)
            return (slot, raw_start, start,
                    batch_hbm.at[pl.ds(start, _CHUNK)],
                    ids_v.at[pl.ds(pl.multiple_of(slot * _CHUNK, 128),
                                   _CHUNK)],
                    e_hbm.at[pl.ds(start, _CHUNK), :],
                    rows_v.at[slot])

        def start_chunk(g):
            slot, _, _, ids_src, ids_dst, row_src, row_dst = chunk_refs(g)
            pltpu.async_copy(ids_src, ids_dst, sems.at[slot])
            pltpu.async_copy(row_src, row_dst, sems.at[slot])

        @pl.when(n_chunks > 0)
        def _():
            start_chunk(0)

        for pre in range(1, 4):
            @pl.when(n_chunks > pre)
            def _(q=pre):
                start_chunk(q)

        @plsc.parallel_loop(0, zero_rows, 1)
        def _(i):
            for c in range(d // _LANES):
                rows_v[_NBUF - 1, i, pl.ds(c * _LANES, _LANES)] = zeros

        pltpu.sync_copy(
            rows_v.at[_NBUF - 1, pl.ds(0, zero_rows), :],
            acc_sp.at[pl.ds(tid * zero_rows, zero_rows), :])
        plsc.subcore_barrier()

        def scatter_copy(g):
            slot = g % _NBUF
            return pltpu.make_async_copy(
                rows_v.at[slot],
                acc_sp.at[idx_v.at[slot]],
                scat_sems.at[slot])

        def chunk_body(g, carry):
            @pl.when(g >= 2)
            def _():
                scatter_copy(g - 2).wait()

            @pl.when(g + 4 < n_chunks)
            def _():
                start_chunk(g + 4)

            slot, raw_start, start, ids_src, ids_dst, row_src, row_dst = (
                chunk_refs(g))
            pltpu.make_async_copy(ids_src, ids_dst, sems.at[slot]).wait()
            pltpu.make_async_copy(row_src, row_dst, sems.at[slot]).wait()

            lo = jnp.maximum(t0, raw_start) - start
            hi = jnp.minimum(t1, raw_start + _CHUNK) - start

            for b in range(_CHUNK // _LANES):
                off = b * _LANES
                ivec = ids_v[pl.ds(
                    pl.multiple_of(slot * _CHUNK + off, _LANES), _LANES)]
                pos = off + lanes
                ok = (pos >= lo) & (pos < hi)
                loc = jnp.where(ok, ivec - m0, m_per_core + lanes)
                idx_v[slot, pl.ds(off, _LANES)] = loc

            pltpu.async_copy(
                rows_v.at[slot],
                acc_sp.at[idx_v.at[slot]],
                scat_sems.at[slot],
                add=True)
            return carry

        lax.fori_loop(0, n_chunks, chunk_body, 0)

        for back in range(2, 0, -1):
            @pl.when(n_chunks >= back)
            def _(b=back):
                scatter_copy(n_chunks - b).wait()

        plsc.subcore_barrier()

        pltpu.sync_copy(
            acc_sp.at[pl.ds(tid * m_per_tile, m_per_tile), :],
            rows_v.at[0, pl.ds(0, m_per_tile), :])
        pltpu.sync_copy(
            rows_v.at[0, pl.ds(0, m_per_tile), :],
            out_hbm.at[pl.ds(m0 + tid * m_per_tile, m_per_tile), :])

    return seg_sum


def kernel(E_t, batch):
    n_atoms, d = E_t.shape
    n_mol = 4096
    m_per_w = n_mol // _NW
    mol_starts = jnp.arange(_NW + 1, dtype=jnp.int32) * m_per_w
    bounds = jnp.searchsorted(batch, mol_starts, side="left",
                              method="compare_all").astype(jnp.int32)
    bounds = jnp.concatenate([bounds, jnp.zeros((15,), jnp.int32)])
    return _seg_sum_call(n_atoms, d, n_mol)(E_t, batch, bounds)

# --- scband reference (transcript-rebuilt; emitter-appended) ---
"""Pipeline reference for scband-gem-net-tenergy-and-grad-force-head-15281493639527 (READ-ONLY COPY).

The authoritative reference and input builder live on the scoring server;
editing this copy changes nothing except your own understanding.
"""

import jax, jax.numpy as jnp
import numpy as np

N_ATOMS = 100000
D = 128
N_MOL = 4096

def setup_inputs(seed: int = 0) -> dict:
    key = jax.random.key(seed)
    k1, k2 = jax.random.split(key)
    E_t = jax.random.normal(k1, (N_ATOMS, D), dtype=jnp.float32)
    batch = jnp.sort(jax.random.randint(k2, (N_ATOMS,), 0, N_MOL, dtype=jnp.int32))
    return {"E_t": E_t, "batch": batch}

def reference(E_t, batch):
    # GemNetTEnergyAndGradForceHead.forward with extensive=True, direct_forces=True:
    # nMolecules = max(batch) + 1; E = scatter(E_t, batch, dim=0, dim_size=nMolecules, reduce='add')
    # (force-by-autograd branch is skipped because direct_forces=True)
    nMolecules = N_MOL
    energy = jax.ops.segment_sum(E_t, batch, num_segments=nMolecules)
    return energy

if __name__ == "__main__":
    import jax
    _d = setup_inputs()
    print(jax.jit(kernel)(*tuple(_d.values())))

</pallas_src>

<mosaic_0001>
#map = affine_map<(d0, d1) -> (0, 0)>
#map1 = affine_map<(d0, d1) -> (0)>
module attributes {stable_mosaic.version = 14 : i64} {
  func.func @seg_sum(%arg0: i32, %arg1: i32, %arg2: memref<100000x128xf32, #tpu.memory_space<hbm>>, %arg3: memref<100000xi32, #tpu.memory_space<hbm>>, %arg4: memref<48xi32, #tpu.memory_space<hbm>>, %arg5: memref<4096x128xf32, #tpu.memory_space<hbm>>, %arg6: memref<48xi32, #tpu.memory_space<vmem>>, %arg7: memref<768xi32, #tpu.memory_space<vmem>>, %arg8: memref<6x128x128xf32, #tpu.memory_space<vmem>>, %arg9: memref<6x128xi32, #tpu.memory_space<vmem>>, %arg10: memref<2176x128xf32, #tpu.memory_space<vmem_shared>>, %arg11: memref<6x!tpu.dma_semaphore, #tpu.memory_space<semaphore_mem>>, %arg12: memref<6x!tpu.dma_semaphore, #tpu.memory_space<semaphore_mem>>) attributes {dimension_semantics = [#tpu.dimension_semantics<core_parallel>, #tpu.dimension_semantics<subcore_parallel>], iteration_bounds = array<i64: 2, 16>, scalar_prefetch = 0 : i64, scratch_operands = 7 : i64, tpu.core_type = #tpu.core_type<sc_vector_subcore>, window_params = [{transform_indices = #map}, {transform_indices = #map1}, {transform_indices = #map1}, {transform_indices = #map}]} {
    "tpu.region"() ({
      %run_scoped3A_139 = tpu.sem_alloc : memref<!tpu.dma_semaphore, #tpu.memory_space<semaphore_mem>>
      tpu.enqueue_dma source(%arg4 : memref<48xi32, #tpu.memory_space<hbm>>) target(%arg6 : memref<48xi32, #tpu.memory_space<vmem>>) target_semaphore(%run_scoped3A_139 : memref<!tpu.dma_semaphore, #tpu.memory_space<semaphore_mem>>)
      tpu.wait_dma2 semaphore(%run_scoped3A_139 : memref<!tpu.dma_semaphore, #tpu.memory_space<semaphore_mem>>) src(%arg4 : memref<48xi32, #tpu.memory_space<hbm>>) dst(%arg6 : memref<48xi32, #tpu.memory_space<vmem>>)
      tpu.yield
    }) : () -> ()
    %mul3A = arith.constant 16 : i32
    %mul3A_0 = arith.muli %arg0, %mul3A : i32
    %get3A = arith.index_cast %mul3A_0 : i32 to index
    %get3A_1 = tpu.vector_load %arg6[%get3A] {strides = array<i32>} : memref<48xi32, #tpu.memory_space<vmem>>, vector<16xi32>,
    %get3A_2 = vector.shape_cast %get3A_1 : vector<16xi32> to vector<16xi32>
    %slice3A = vector.extract_strided_slice %get3A_2 {offsets = [0], sizes = [1], strides = [1]} : vector<16xi32> to vector<1xi32>
    %squeeze3A = vector.extract %slice3A[0] : i32 from vector<1xi32>
    %add3A = arith.constant 1 : i32
    %add3A_3 = arith.addi %arg0, %add3A : i32
    %mul3A_4 = arith.constant 16 : i32
    %mul3A_5 = arith.muli %add3A_3, %mul3A_4 : i32
    %get3A_6 = arith.index_cast %mul3A_5 : i32 to index
    %get3A_7 = tpu.vector_load %arg6[%get3A_6] {strides = array<i32>} : memref<48xi32, #tpu.memory_space<vmem>>, vector<16xi32>,
    %get3A_8 = vector.shape_cast %get3A_7 : vector<16xi32> to vector<16xi32>
    %slice3A_9 = vector.extract_strided_slice %get3A_8 {offsets = [0], sizes = [1], strides = [1]} : vector<16xi32> to vector<1xi32>
    %squeeze3A_10 = vector.extract %slice3A_9[0] : i32 from vector<1xi32>
    %sub3A = arith.subi %squeeze3A_10, %squeeze3A : i32
    %mul3A_11 = arith.muli %sub3A, %arg1 : i32
    %jit3A = arith.constant 16 : i32
    %div3A = arith.divsi %mul3A_11, %jit3A : i32
    %sign3A = arith.constant 0 : i32
    %sign3A_12 = arith.cmpi sgt, %mul3A_11, %sign3A : i32
    %sign3A_13 = arith.extui %sign3A_12 : i1 to i32
    %sign3A_14 = arith.constant 0 : i32
    %sign3A_15 = arith.cmpi slt, %mul3A_11, %sign3A_14 : i32
    %sign3A_16 = arith.extui %sign3A_15 : i1 to i32
    %sign3A_17 = arith.subi %sign3A_13, %sign3A_16 : i32
    %sign3A_18 = arith.constant 0 : i32
    %sign3A_19 = arith.cmpi sgt, %jit3A, %sign3A_18 : i32
    %sign3A_20 = arith.extui %sign3A_19 : i1 to i32
    %sign3A_21 = arith.constant 0 : i32
    %sign3A_22 = arith.cmpi slt, %jit3A, %sign3A_21 : i32
    %sign3A_23 = arith.extui %sign3A_22 : i1 to i32
    %sign3A_24 = arith.subi %sign3A_20, %sign3A_23 : i32
    %ne3A = arith.cmpi ne, %sign3A_17, %sign3A_24 : i32
    %rem3A = arith.remsi %mul3A_11, %jit3A : i32
    %ne3A_25 = arith.constant 0 : i32
    %ne3A_26 = arith.cmpi ne, %rem3A, %ne3A_25 : i32
    %and3A = arith.andi %ne3A, %ne3A_26 : i1
    %sub3A_27 = arith.constant 1 : i32
    %sub3A_28 = arith.subi %div3A, %sub3A_27 : i32
    %select_n3A = arith.select %and3A, %sub3A_28, %div3A : i32
    %add3A_29 = arith.addi %squeeze3A, %select_n3A : i32
    %add3A_30 = arith.constant 1 : i32
    %add3A_31 = arith.addi %arg1, %add3A_30 : i32
    %mul3A_32 = arith.muli %sub3A, %add3A_31 : i32
    %jit3A_33 = arith.constant 16 : i32
    %div3A_34 = arith.divsi %mul3A_32, %jit3A_33 : i32
    %sign3A_35 = arith.constant 0 : i32
    %sign3A_36 = arith.cmpi sgt, %mul3A_32, %sign3A_35 : i32
    %sign3A_37 = arith.extui %sign3A_36 : i1 to i32
    %sign3A_38 = arith.constant 0 : i32
    %sign3A_39 = arith.cmpi slt, %mul3A_32, %sign3A_38 : i32
    %sign3A_40 = arith.extui %sign3A_39 : i1 to i32
    %sign3A_41 = arith.subi %sign3A_37, %sign3A_40 : i32
    %sign3A_42 = arith.constant 0 : i32
    %sign3A_43 = arith.cmpi sgt, %jit3A_33, %sign3A_42 : i32
    %sign3A_44 = arith.extui %sign3A_43 : i1 to i32
    %sign3A_45 = arith.constant 0 : i32
    %sign3A_46 = arith.cmpi slt, %jit3A_33, %sign3A_45 : i32
    %sign3A_47 = arith.extui %sign3A_46 : i1 to i32
    %sign3A_48 = arith.subi %sign3A_44, %sign3A_47 : i32
    %ne3A_49 = arith.cmpi ne, %sign3A_41, %sign3A_48 : i32
    %rem3A_50 = arith.remsi %mul3A_32, %jit3A_33 : i32
    %ne3A_51 = arith.constant 0 : i32
    %ne3A_52 = arith.cmpi ne, %rem3A_50, %ne3A_51 : i32
    %and3A_53 = arith.andi %ne3A_49, %ne3A_52 : i1
    %sub3A_54 = arith.constant 1 : i32
    %sub3A_55 = arith.subi %div3A_34, %sub3A_54 : i32
    %select_n3A_56 = arith.select %and3A_53, %sub3A_55, %div3A_34 : i32
    %add3A_57 = arith.addi %squeeze3A, %select_n3A_56 : i32
    %mul3A_58 = arith.constant 2048 : i32
    %mul3A_59 = arith.muli %arg0, %mul3A_58 : i32
    %broadcast_in_dim3A = arith.constant 0.000000e+00 : f32
    %broadcast_in_dim3A_60 = vector.broadcast %broadcast_in_dim3A : f32 to vector<16xf32>
    %iota3A = tpu.iota {dimensions = array<i32: 0>} : vector<16xi32>
    %and3A_61 = arith.constant -8 : i32
    %and3A_62 = arith.andi %add3A_29, %and3A_61 : i32
    %sub3A_63 = arith.subi %add3A_57, %and3A_62 : i32
    %add3A_64 = arith.constant 128 : i32
    %add3A_65 = arith.addi %sub3A_63, %add3A_64 : i32
    %sub3A_66 = arith.constant 1 : i32
    %sub3A_67 = arith.subi %add3A_65, %sub3A_66 : i32
    %jit3A_68 = arith.constant 128 : i32
    %div3A_69 = arith.divsi %sub3A_67, %jit3A_68 : i32
    %sign3A_70 = arith.constant 0 : i32
    %sign3A_71 = arith.cmpi sgt, %sub3A_67, %sign3A_70 : i32
    %sign3A_72 = arith.extui %sign3A_71 : i1 to i32
    %sign3A_73 = arith.constant 0 : i32
    %sign3A_74 = arith.cmpi slt, %sub3A_67, %sign3A_73 : i32
    %sign3A_75 = arith.extui %sign3A_74 : i1 to i32
    %sign3A_76 = arith.subi %sign3A_72, %sign3A_75 : i32
    %sign3A_77 = arith.constant 0 : i32
    %sign3A_78 = arith.cmpi sgt, %jit3A_68, %sign3A_77 : i32
    %sign3A_79 = arith.extui %sign3A_78 : i1 to i32
    %sign3A_80 = arith.constant 0 : i32
    %sign3A_81 = arith.cmpi slt, %jit3A_68, %sign3A_80 : i32
    %sign3A_82 = arith.extui %sign3A_81 : i1 to i32
    %sign3A_83 = arith.subi %sign3A_79, %sign3A_82 : i32
    %ne3A_84 = arith.cmpi ne, %sign3A_76, %sign3A_83 : i32
    %rem3A_85 = arith.remsi %sub3A_67, %jit3A_68 : i32
    %ne3A_86 = arith.constant 0 : i32
    %ne3A_87 = arith.cmpi ne, %rem3A_85, %ne3A_86 : i32
    %and3A_88 = arith.andi %ne3A_84, %ne3A_87 : i1
    %sub3A_89 = arith.constant 1 : i32
    %sub3A_90 = arith.subi %div3A_69, %sub3A_89 : i32
    %select_n3A_91 = arith.select %and3A_88, %sub3A_90, %div3A_69 : i32
    %gt3A = arith.constant 0 : i32
    %gt3A_92 = arith.cmpi sgt, %select_n3A_91, %gt3A : i32
    %convert_element_type3A = arith.extui %gt3A_92 : i1 to i32
    %cond3A = arith.constant 0 : i32
    %cond3A_93 = arith.cmpi ne, %convert_element_type3A, %cond3A : i32
    scf.if %cond3A_93 {
      %add3A_139 = arith.constant 0 : i32
      %add3A_140 = arith.addi %and3A_62, %add3A_139 : i32
      %min3A = arith.constant 99872 : i32
      %min3A_141 = arith.minsi %add3A_140, %min3A : i32
      %multiple_of3A = tpu.assume_multiple %min3A_141, 8 : i32
      %multiple_of3A_142 = arith.constant 0 : i32
      %multiple_of3A_143 = tpu.assume_multiple %multiple_of3A_142, 128 : i32
      %dma_start3A = arith.constant 0 : i32
      %dma_start3A_144 = tpu.memref_slice %arg7[%multiple_of3A_143] : memref<768xi32, #tpu.memory_space<vmem>> -> memref<128xi32, #tpu.memory_space<vmem>>
      %dma_start3A_145 = tpu.memref_slice %arg3[%multiple_of3A] : memref<100000xi32, #tpu.memory_space<hbm>> -> memref<128xi32, #tpu.memory_space<hbm>>
      %dma_start3A_146 = tpu.memref_slice %arg11[%dma_start3A] : memref<6x!tpu.dma_semaphore, #tpu.memory_space<semaphore_mem>> -> memref<1x!tpu.dma_semaphore, #tpu.memory_space<semaphore_mem>>
      %dma_start3A_147 = tpu.memref_squeeze %dma_start3A_146 : memref<1x!tpu.dma_semaphore, #tpu.memory_space<semaphore_mem>> -> memref<!tpu.dma_semaphore, #tpu.memory_space<semaphore_mem>>
      %dma_start3A_148 = tpu.memref_slice %arg7[%multiple_of3A_143] : memref<768xi32, #tpu.memory_space<vmem>> -> memref<128xi32, #tpu.memory_space<vmem>>
      %dma_start3A_149 = tpu.memref_slice %arg3[%multiple_of3A] : memref<100000xi32, #tpu.memory_space<hbm>> -> memref<128xi32, #tpu.memory_space<hbm>>
      tpu.enqueue_dma source(%dma_start3A_149 : memref<128xi32, #tpu.memory_space<hbm>>) target(%dma_start3A_148 : memref<128xi32, #tpu.memory_space<vmem>>) target_semaphore(%dma_start3A_147 : memref<!tpu.dma_semaphore, #tpu.memory_space<semaphore_mem>>)
      %dma_start3A_150 = arith.constant 0 : i32
      %dma_start3A_151 = arith.constant 0 : i32
      %dma_start3A_152 = arith.constant 0 : i32
      %dma_start3A_153 = arith.constant 0 : i32
      %dma_start3A_154 = tpu.memref_slice %arg8[%dma_start3A_150, %dma_start3A_152, %dma_start3A_153] : memref<6x128x128xf32, #tpu.memory_space<vmem>> -> memref<1x128x128xf32, #tpu.memory_space<vmem>>
      %dma_start3A_155 = tpu.memref_squeeze %dma_start3A_154 : memref<1x128x128xf32, #tpu.memory_space<vmem>> -> memref<128x128xf32, #tpu.memory_space<vmem>>
      %dma_start3A_156 = arith.constant 0 : i32
      %dma_start3A_157 = tpu.memref_slice %arg2[%multiple_of3A, %dma_start3A_156] : memref<100000x128xf32, #tpu.memory_space<hbm>> -> memref<128x128xf32, #tpu.memory_space<hbm>>
      %dma_start3A_158 = tpu.memref_slice %arg11[%dma_start3A_151] : memref<6x!tpu.dma_semaphore, #tpu.memory_space<semaphore_mem>> -> memref<1x!tpu.dma_semaphore, #tpu.memory_space<semaphore_mem>>
      %dma_start3A_159 = tpu.memref_squeeze %dma_start3A_158 : memref<1x!tpu.dma_semaphore, #tpu.memory_space<semaphore_mem>> -> memref<!tpu.dma_semaphore, #tpu.memory_space<semaphore_mem>>
      %dma_start3A_160 = arith.constant 0 : i32
      %dma_start3A_161 = arith.constant 0 : i32
      %dma_start3A_162 = tpu.memref_slice %arg8[%dma_start3A_150, %dma_start3A_160, %dma_start3A_161] : memref<6x128x128xf32, #tpu.memory_space<vmem>> -> memref<1x128x128xf32, #tpu.memory_space<vmem>>
      %dma_start3A_163 = tpu.memref_squeeze %dma_start3A_162 : memref<1x128x128xf32, #tpu.memory_space<vmem>> -> memref<128x128xf32, #tpu.memory_space<vmem>>
      %dma_start3A_164 = arith.constant 0 : i32
      %dma_start3A_165 = tpu.memref_slice %arg2[%multiple_of3A, %dma_start3A_164] : memref<100000x128xf32, #tpu.memory_space<hbm>> -> memref<128x128xf32, #tpu.memory_space<hbm>>
      tpu.enqueue_dma source(%dma_start3A_165 : memref<128x128xf32, #tpu.memory_space<hbm>>) target(%dma_start3A_163 : memref<128x128xf32, #tpu.memory_space<vmem>>) target_semaphore(%dma_start3A_159 : memref<!tpu.dma_semaphore, #tpu.memory_space<semaphore_mem>>)
    } else {
    }
    %gt3A_94 = arith.constant 1 : i32
    %gt3A_95 = arith.cmpi sgt, %select_n3A_91, %gt3A_94 : i32
    %convert_element_type3A_96 = arith.extui %gt3A_95 : i1 to i32
    %cond3A_97 = arith.constant 0 : i32
    %cond3A_98 = arith.cmpi ne, %convert_element_type3A_96, %cond3A_97 : i32
    scf.if %cond3A_98 {
      %add3A_139 = arith.constant 128 : i32
      %add3A_140 = arith.addi %and3A_62, %add3A_139 : i32
      %min3A = arith.constant 99872 : i32
      %min3A_141 = arith.minsi %add3A_140, %min3A : i32
      %multiple_of3A = tpu.assume_multiple %min3A_141, 8 : i32
      %multiple_of3A_142 = arith.constant 128 : i32
      %multiple_of3A_143 = tpu.assume_multiple %multiple_of3A_142, 128 : i32
      %dma_start3A = arith.constant 1 : i32
      %dma_start3A_144 = tpu.memref_slice %arg7[%multiple_of3A_143] : memref<768xi32, #tpu.memory_space<vmem>> -> memref<128xi32, #tpu.memory_space<vmem>>
      %dma_start3A_145 = tpu.memref_slice %arg3[%multiple_of3A] : memref<100000xi32, #tpu.memory_space<hbm>> -> memref<128xi32, #tpu.memory_space<hbm>>
      %dma_start3A_146 = tpu.memref_slice %arg11[%dma_start3A] : memref<6x!tpu.dma_semaphore, #tpu.memory_space<semaphore_mem>> -> memref<1x!tpu.dma_semaphore, #tpu.memory_space<semaphore_mem>>
      %dma_start3A_147 = tpu.memref_squeeze %dma_start3A_146 : memref<1x!tpu.dma_semaphore, #tpu.memory_space<semaphore_mem>> -> memref<!tpu.dma_semaphore, #tpu.memory_space<semaphore_mem>>
      %dma_start3A_148 = tpu.memref_slice %arg7[%multiple_of3A_143] : memref<768xi32, #tpu.memory_space<vmem>> -> memref<128xi32, #tpu.memory_space<vmem>>
      %dma_start3A_149 = tpu.memref_slice %arg3[%multiple_of3A] : memref<100000xi32, #tpu.memory_space<hbm>> -> memref<128xi32, #tpu.memory_space<hbm>>
      tpu.enqueue_dma source(%dma_start3A_149 : memref<128xi32, #tpu.memory_space<hbm>>) target(%dma_start3A_148 : memref<128xi32, #tpu.memory_space<vmem>>) target_semaphore(%dma_start3A_147 : memref<!tpu.dma_semaphore, #tpu.memory_space<semaphore_mem>>)
      %dma_start3A_150 = arith.constant 1 : i32
      %dma_start3A_151 = arith.constant 1 : i32
      %dma_start3A_152 = arith.constant 0 : i32
      %dma_start3A_153 = arith.constant 0 : i32
      %dma_start3A_154 = tpu.memref_slice %arg8[%dma_start3A_150, %dma_start3A_152, %dma_start3A_153] : memref<6x128x128xf32, #tpu.memory_space<vmem>> -> memref<1x128x128xf32, #tpu.memory_space<vmem>>
      %dma_start3A_155 = tpu.memref_squeeze %dma_start3A_154 : memref<1x128x128xf32, #tpu.memory_space<vmem>> -> memref<128x128xf32, #tpu.memory_space<vmem>>
      %dma_start3A_156 = arith.constant 0 : i32
      %dma_start3A_157 = tpu.memref_slice %arg2[%multiple_of3A, %dma_start3A_156] : memref<100000x128xf32, #tpu.memory_space<hbm>> -> memref<128x128xf32, #tpu.memory_space<hbm>>
      %dma_start3A_158 = tpu.memref_slice %arg11[%dma_start3A_151] : memref<6x!tpu.dma_semaphore, #tpu.memory_space<semaphore_mem>> -> memref<1x!tpu.dma_semaphore, #tpu.memory_space<semaphore_mem>>
      %dma_start3A_159 = tpu.memref_squeeze %dma_start3A_158 : memref<1x!tpu.dma_semaphore, #tpu.memory_space<semaphore_mem>> -> memref<!tpu.dma_semaphore, #tpu.memory_space<semaphore_mem>>
      %dma_start3A_160 = arith.constant 0 : i32
      %dma_start3A_161 = arith.constant 0 : i32
      %dma_start3A_162 = tpu.memref_slice %arg8[%dma_start3A_150, %dma_start3A_160, %dma_start3A_161] : memref<6x128x128xf32, #tpu.memory_space<vmem>> -> memref<1x128x128xf32, #tpu.memory_space<vmem>>
      %dma_start3A_163 = tpu.memref_squeeze %dma_start3A_162 : memref<1x128x128xf32, #tpu.memory_space<vmem>> -> memref<128x128xf32, #tpu.memory_space<vmem>>
      %dma_start3A_164 = arith.constant 0 : i32
      %dma_start3A_165 = tpu.memref_slice %arg2[%multiple_of3A, %dma_start3A_164] : memref<100000x128xf32, #tpu.memory_space<hbm>> -> memref<128x128xf32, #tpu.memory_space<hbm>>
      tpu.enqueue_dma source(%dma_start3A_165 : memref<128x128xf32, #tpu.memory_space<hbm>>) target(%dma_start3A_163 : memref<128x128xf32, #tpu.memory_space<vmem>>) target_semaphore(%dma_start3A_159 : memref<!tpu.dma_semaphore, #tpu.memory_space<semaphore_mem>>)
    } else {
    }
    %gt3A_99 = arith.constant 2 : i32
    %gt3A_100 = arith.cmpi sgt, %select_n3A_91, %gt3A_99 : i32
    %convert_element_type3A_101 = arith.extui %gt3A_100 : i1 to i32
    %cond3A_102 = arith.constant 0 : i32
    %cond3A_103 = arith.cmpi ne, %convert_element_type3A_101, %cond3A_102 : i32
    scf.if %cond3A_103 {
      %add3A_139 = arith.constant 256 : i32
      %add3A_140 = arith.addi %and3A_62, %add3A_139 : i32
      %min3A = arith.constant 99872 : i32
      %min3A_141 = arith.minsi %add3A_140, %min3A : i32
      %multiple_of3A = tpu.assume_multiple %min3A_141, 8 : i32
      %multiple_of3A_142 = arith.constant 256 : i32
      %multiple_of3A_143 = tpu.assume_multiple %multiple_of3A_142, 128 : i32
      %dma_start3A = arith.constant 2 : i32
      %dma_start3A_144 = tpu.memref_slice %arg7[%multiple_of3A_143] : memref<768xi32, #tpu.memory_space<vmem>> -> memref<128xi32, #tpu.memory_space<vmem>>
      %dma_start3A_145 = tpu.memref_slice %arg3[%multiple_of3A] : memref<100000xi32, #tpu.memory_space<hbm>> -> memref<128xi32, #tpu.memory_space<hbm>>
      %dma_start3A_146 = tpu.memref_slice %arg11[%dma_start3A] : memref<6x!tpu.dma_semaphore, #tpu.memory_space<semaphore_mem>> -> memref<1x!tpu.dma_semaphore, #tpu.memory_space<semaphore_mem>>
      %dma_start3A_147 = tpu.memref_squeeze %dma_start3A_146 : memref<1x!tpu.dma_semaphore, #tpu.memory_space<semaphore_mem>> -> memref<!tpu.dma_semaphore, #tpu.memory_space<semaphore_mem>>
      %dma_start3A_148 = tpu.memref_slice %arg7[%multiple_of3A_143] : memref<768xi32, #tpu.memory_space<vmem>> -> memref<128xi32, #tpu.memory_space<vmem>>
      %dma_start3A_149 = tpu.memref_slice %arg3[%multiple_of3A] : memref<100000xi32, #tpu.memory_space<hbm>> -> memref<128xi32, #tpu.memory_space<hbm>>
      tpu.enqueue_dma source(%dma_start3A_149 : memref<128xi32, #tpu.memory_space<hbm>>) target(%dma_start3A_148 : memref<128xi32, #tpu.memory_space<vmem>>) target_semaphore(%dma_start3A_147 : memref<!tpu.dma_semaphore, #tpu.memory_space<semaphore_mem>>)
      %dma_start3A_150 = arith.constant 2 : i32
      %dma_start3A_151 = arith.constant 2 : i32
      %dma_start3A_152 = arith.constant 0 : i32
      %dma_start3A_153 = arith.constant 0 : i32
      %dma_start3A_154 = tpu.memref_slice %arg8[%dma_start3A_150, %dma_start3A_152, %dma_start3A_153] : memref<6x128x128xf32, #tpu.memory_space<vmem>> -> memref<1x128x128xf32, #tpu.memory_space<vmem>>
      %dma_start3A_155 = tpu.memref_squeeze %dma_start3A_154 : memref<1x128x128xf32, #tpu.memory_space<vmem>> -> memref<128x128xf32, #tpu.memory_space<vmem>>
      %dma_start3A_156 = arith.constant 0 : i32
      %dma_start3A_157 = tpu.memref_slice %arg2[%multiple_of3A, %dma_start3A_156] : memref<100000x128xf32, #tpu.memory_space<hbm>> -> memref<128x128xf32, #tpu.memory_space<hbm>>
      %dma_start3A_158 = tpu.memref_slice %arg11[%dma_start3A_151] : memref<6x!tpu.dma_semaphore, #tpu.memory_space<semaphore_mem>> -> memref<1x!tpu.dma_semaphore, #tpu.memory_space<semaphore_mem>>
      %dma_start3A_159 = tpu.memref_squeeze %dma_start3A_158 : memref<1x!tpu.dma_semaphore, #tpu.memory_space<semaphore_mem>> -> memref<!tpu.dma_semaphore, #tpu.memory_space<semaphore_mem>>
      %dma_start3A_160 = arith.constant 0 : i32
      %dma_start3A_161 = arith.constant 0 : i32
      %dma_start3A_162 = tpu.memref_slice %arg8[%dma_start3A_150, %dma_start3A_160, %dma_start3A_161] : memref<6x128x128xf32, #tpu.memory_space<vmem>> -> memref<1x128x128xf32, #tpu.memory_space<vmem>>
      %dma_start3A_163 = tpu.memref_squeeze %dma_start3A_162 : memref<1x128x128xf32, #tpu.memory_space<vmem>> -> memref<128x128xf32, #tpu.memory_space<vmem>>
      %dma_start3A_164 = arith.constant 0 : i32
      %dma_start3A_165 = tpu.memref_slice %arg2[%multiple_of3A, %dma_start3A_164] : memref<100000x128xf32, #tpu.memory_space<hbm>> -> memref<128x128xf32, #tpu.memory_space<hbm>>
      tpu.enqueue_dma source(%dma_start3A_165 : memref<128x128xf32, #tpu.memory_space<hbm>>) target(%dma_start3A_163 : memref<128x128xf32, #tpu.memory_space<vmem>>) target_semaphore(%dma_start3A_159 : memref<!tpu.dma_semaphore, #tpu.memory_space<semaphore_mem>>)
    } else {
    }
    %gt3A_104 = arith.constant 3 : i32
    %gt3A_105 = arith.cmpi sgt, %select_n3A_91, %gt3A_104 : i32
    %convert_element_type3A_106 = arith.extui %gt3A_105 : i1 to i32
    %cond3A_107 = arith.constant 0 : i32
    %cond3A_108 = arith.cmpi ne, %convert_element_type3A_106, %cond3A_107 : i32
    scf.if %cond3A_108 {
      %add3A_139 = arith.constant 384 : i32
      %add3A_140 = arith.addi %and3A_62, %add3A_139 : i32
      %min3A = arith.constant 99872 : i32
      %min3A_141 = arith.minsi %add3A_140, %min3A : i32
      %multiple_of3A = tpu.assume_multiple %min3A_141, 8 : i32
      %multiple_of3A_142 = arith.constant 384 : i32
      %multiple_of3A_143 = tpu.assume_multiple %multiple_of3A_142, 128 : i32
      %dma_start3A = arith.constant 3 : i32
      %dma_start3A_144 = tpu.memref_slice %arg7[%multiple_of3A_143] : memref<768xi32, #tpu.memory_space<vmem>> -> memref<128xi32, #tpu.memory_space<vmem>>
      %dma_start3A_145 = tpu.memref_slice %arg3[%multiple_of3A] : memref<100000xi32, #tpu.memory_space<hbm>> -> memref<128xi32, #tpu.memory_space<hbm>>
      %dma_start3A_146 = tpu.memref_slice %arg11[%dma_start3A] : memref<6x!tpu.dma_semaphore, #tpu.memory_space<semaphore_mem>> -> memref<1x!tpu.dma_semaphore, #tpu.memory_space<semaphore_mem>>
      %dma_start3A_147 = tpu.memref_squeeze %dma_start3A_146 : memref<1x!tpu.dma_semaphore, #tpu.memory_space<semaphore_mem>> -> memref<!tpu.dma_semaphore, #tpu.memory_space<semaphore_mem>>
      %dma_start3A_148 = tpu.memref_slice %arg7[%multiple_of3A_143] : memref<768xi32, #tpu.memory_space<vmem>> -> memref<128xi32, #tpu.memory_space<vmem>>
      %dma_start3A_149 = tpu.memref_slice %arg3[%multiple_of3A] : memref<100000xi32, #tpu.memory_space<hbm>> -> memref<128xi32, #tpu.memory_space<hbm>>
      tpu.enqueue_dma source(%dma_start3A_149 : memref<128xi32, #tpu.memory_space<hbm>>) target(%dma_start3A_148 : memref<128xi32, #tpu.memory_space<vmem>>) target_semaphore(%dma_start3A_147 : memref<!tpu.dma_semaphore, #tpu.memory_space<semaphore_mem>>)
      %dma_start3A_150 = arith.constant 3 : i32
      %dma_start3A_151 = arith.constant 3 : i32
      %dma_start3A_152 = arith.constant 0 : i32
      %dma_start3A_153 = arith.constant 0 : i32
      %dma_start3A_154 = tpu.memref_slice %arg8[%dma_start3A_150, %dma_start3A_152, %dma_start3A_153] : memref<6x128x128xf32, #tpu.memory_space<vmem>> -> memref<1x128x128xf32, #tpu.memory_space<vmem>>
      %dma_start3A_155 = tpu.memref_squeeze %dma_start3A_154 : memref<1x128x128xf32, #tpu.memory_space<vmem>> -> memref<128x128xf32, #tpu.memory_space<vmem>>
      %dma_start3A_156 = arith.constant 0 : i32
      %dma_start3A_157 = tpu.memref_slice %arg2[%multiple_of3A, %dma_start3A_156] : memref<100000x128xf32, #tpu.memory_space<hbm>> -> memref<128x128xf32, #tpu.memory_space<hbm>>
      %dma_start3A_158 = tpu.memref_slice %arg11[%dma_start3A_151] : memref<6x!tpu.dma_semaphore, #tpu.memory_space<semaphore_mem>> -> memref<1x!tpu.dma_semaphore, #tpu.memory_space<semaphore_mem>>
      %dma_start3A_159 = tpu.memref_squeeze %dma_start3A_158 : memref<1x!tpu.dma_semaphore, #tpu.memory_space<semaphore_mem>> -> memref<!tpu.dma_semaphore, #tpu.memory_space<semaphore_mem>>
      %dma_start3A_160 = arith.constant 0 : i32
      %dma_start3A_161 = arith.constant 0 : i32
      %dma_start3A_162 = tpu.memref_slice %arg8[%dma_start3A_150, %dma_start3A_160, %dma_start3A_161] : memref<6x128x128xf32, #tpu.memory_space<vmem>> -> memref<1x128x128xf32, #tpu.memory_space<vmem>>
      %dma_start3A_163 = tpu.memref_squeeze %dma_start3A_162 : memref<1x128x128xf32, #tpu.memory_space<vmem>> -> memref<128x128xf32, #tpu.memory_space<vmem>>
      %dma_start3A_164 = arith.constant 0 : i32
      %dma_start3A_165 = tpu.memref_slice %arg2[%multiple_of3A, %dma_start3A_164] : memref<100000x128xf32, #tpu.memory_space<hbm>> -> memref<128x128xf32, #tpu.memory_space<hbm>>
      tpu.enqueue_dma source(%dma_start3A_165 : memref<128x128xf32, #tpu.memory_space<hbm>>) target(%dma_start3A_163 : memref<128x128xf32, #tpu.memory_space<vmem>>) target_semaphore(%dma_start3A_159 : memref<!tpu.dma_semaphore, #tpu.memory_space<semaphore_mem>>)
    } else {
    }
    %parallel_loop3A = arith.constant 0 : i32
    %parallel_loop3A_109 = arith.constant 136 : i32
    %parallel_loop3A_110 = arith.constant 1 : i32
    scf.for %parallel_loop3A_139 = %parallel_loop3A to %parallel_loop3A_109 step %parallel_loop3A_110  : i32 {
      %parallel_loop3A_140 = arith.constant 5 : i32
      %parallel_loop3A_141 = arith.index_cast %parallel_loop3A_140 : i32 to index
      %parallel_loop3A_142 = arith.index_cast %parallel_loop3A_139 : i32 to index
      %parallel_loop3A_143 = arith.constant 0 : index
      %parallel_loop3A_144 = tpu.vector_load %arg8[%parallel_loop3A_141, %parallel_loop3A_142, %parallel_loop3A_143] {strides = array<i32>} : memref<6x128x128xf32, #tpu.memory_space<vmem>>, vector<1x1x16xf32>,
      %parallel_loop3A_145 = vector.shape_cast %parallel_loop3A_144 : vector<1x1x16xf32> to vector<16xf32>
      %parallel_loop3A_146 = vector.shape_cast %broadcast_in_dim3A_60 : vector<16xf32> to vector<1x1x16xf32>
      tpu.vector_store %arg8[%parallel_loop3A_141, %parallel_loop3A_142, %parallel_loop3A_143], %parallel_loop3A_146 {strides = array<i32>} : memref<6x128x128xf32, #tpu.memory_space<vmem>>, vector<1x1x16xf32>,
      %parallel_loop3A_147 = arith.constant 5 : i32
      %parallel_loop3A_148 = arith.index_cast %parallel_loop3A_147 : i32 to index
      %parallel_loop3A_149 = arith.index_cast %parallel_loop3A_139 : i32 to index
      %parallel_loop3A_150 = arith.constant 16 : index
      %parallel_loop3A_151 = tpu.vector_load %arg8[%parallel_loop3A_148, %parallel_loop3A_149, %parallel_loop3A_150] {strides = array<i32>} : memref<6x128x128xf32, #tpu.memory_space<vmem>>, vector<1x1x16xf32>,
      %parallel_loop3A_152 = vector.shape_cast %parallel_loop3A_151 : vector<1x1x16xf32> to vector<16xf32>
      %parallel_loop3A_153 = vector.shape_cast %broadcast_in_dim3A_60 : vector<16xf32> to vector<1x1x16xf32>
      tpu.vector_store %arg8[%parallel_loop3A_148, %parallel_loop3A_149, %parallel_loop3A_150], %parallel_loop3A_153 {strides = array<i32>} : memref<6x128x128xf32, #tpu.memory_space<vmem>>, vector<1x1x16xf32>,
      %parallel_loop3A_154 = arith.constant 5 : i32
      %parallel_loop3A_155 = arith.index_cast %parallel_loop3A_154 : i32 to index
      %parallel_loop3A_156 = arith.index_cast %parallel_loop3A_139 : i32 to index
      %parallel_loop3A_157 = arith.constant 32 : index
      %parallel_loop3A_158 = tpu.vector_load %arg8[%parallel_loop3A_155, %parallel_loop3A_156, %parallel_loop3A_157] {strides = array<i32>} : memref<6x128x128xf32, #tpu.memory_space<vmem>>, vector<1x1x16xf32>,
      %parallel_loop3A_159 = vector.shape_cast %parallel_loop3A_158 : vector<1x1x16xf32> to vector<16xf32>
      %parallel_loop3A_160 = vector.shape_cast %broadcast_in_dim3A_60 : vector<16xf32> to vector<1x1x16xf32>
      tpu.vector_store %arg8[%parallel_loop3A_155, %parallel_loop3A_156, %parallel_loop3A_157], %parallel_loop3A_160 {strides = array<i32>} : memref<6x128x128xf32, #tpu.memory_space<vmem>>, vector<1x1x16xf32>,
      %parallel_loop3A_161 = arith.constant 5 : i32
      %parallel_loop3A_162 = arith.index_cast %parallel_loop3A_161 : i32 to index
      %parallel_loop3A_163 = arith.index_cast %parallel_loop3A_139 : i32 to index
      %parallel_loop3A_164 = arith.constant 48 : index
      %parallel_loop3A_165 = tpu.vector_load %arg8[%parallel_loop3A_162, %parallel_loop3A_163, %parallel_loop3A_164] {strides = array<i32>} : memref<6x128x128xf32, #tpu.memory_space<vmem>>, vector<1x1x16xf32>,
      %parallel_loop3A_166 = vector.shape_cast %parallel_loop3A_165 : vector<1x1x16xf32> to vector<16xf32>
      %parallel_loop3A_167 = vector.shape_cast %broadcast_in_dim3A_60 : vector<16xf32> to vector<1x1x16xf32>
      tpu.vector_store %arg8[%parallel_loop3A_162, %parallel_loop3A_163, %parallel_loop3A_164], %parallel_loop3A_167 {strides = array<i32>} : memref<6x128x128xf32, #tpu.memory_space<vmem>>, vector<1x1x16xf32>,
      %parallel_loop3A_168 = arith.constant 5 : i32
      %parallel_loop3A_169 = arith.index_cast %parallel_loop3A_168 : i32 to index
      %parallel_loop3A_170 = arith.index_cast %parallel_loop3A_139 : i32 to index
      %parallel_loop3A_171 = arith.constant 64 : index
      %parallel_loop3A_172 = tpu.vector_load %arg8[%parallel_loop3A_169, %parallel_loop3A_170, %parallel_loop3A_171] {strides = array<i32>} : memref<6x128x128xf32, #tpu.memory_space<vmem>>, vector<1x1x16xf32>,
      %parallel_loop3A_173 = vector.shape_cast %parallel_loop3A_172 : vector<1x1x16xf32> to vector<16xf32>
      %parallel_loop3A_174 = vector.shape_cast %broadcast_in_dim3A_60 : vector<16xf32> to vector<1x1x16xf32>
      tpu.vector_store %arg8[%parallel_loop3A_169, %parallel_loop3A_170, %parallel_loop3A_171], %parallel_loop3A_174 {strides = array<i32>} : memref<6x128x128xf32, #tpu.memory_space<vmem>>, vector<1x1x16xf32>,
      %parallel_loop3A_175 = arith.constant 5 : i32
      %parallel_loop3A_176 = arith.index_cast %parallel_loop3A_175 : i32 to index
      %parallel_loop3A_177 = arith.index_cast %parallel_loop3A_139 : i32 to index
      %parallel_loop3A_178 = arith.constant 80 : index
      %parallel_loop3A_179 = tpu.vector_load %arg8[%parallel_loop3A_176, %parallel_loop3A_177, %parallel_loop3A_178] {strides = array<i32>} : memref<6x128x128xf32, #tpu.memory_space<vmem>>, vector<1x1x16xf32>,
      %parallel_loop3A_180 = vector.shape_cast %parallel_loop3A_179 : vector<1x1x16xf32> to vector<16xf32>
      %parallel_loop3A_181 = vector.shape_cast %broadcast_in_dim3A_60 : vector<16xf32> to vector<1x1x16xf32>
      tpu.vector_store %arg8[%parallel_loop3A_176, %parallel_loop3A_177, %parallel_loop3A_178], %parallel_loop3A_181 {strides = array<i32>} : memref<6x128x128xf32, #tpu.memory_space<vmem>>, vector<1x1x16xf32>,
      %parallel_loop3A_182 = arith.constant 5 : i32
      %parallel_loop3A_183 = arith.index_cast %parallel_loop3A_182 : i32 to index
      %parallel_loop3A_184 = arith.index_cast %parallel_loop3A_139 : i32 to index
      %parallel_loop3A_185 = arith.constant 96 : index
      %parallel_loop3A_186 = tpu.vector_load %arg8[%parallel_loop3A_183, %parallel_loop3A_184, %parallel_loop3A_185] {strides = array<i32>} : memref<6x128x128xf32, #tpu.memory_space<vmem>>, vector<1x1x16xf32>,
      %parallel_loop3A_187 = vector.shape_cast %parallel_loop3A_186 : vector<1x1x16xf32> to vector<16xf32>
      %parallel_loop3A_188 = vector.shape_cast %broadcast_in_dim3A_60 : vector<16xf32> to vector<1x1x16xf32>
      tpu.vector_store %arg8[%parallel_loop3A_183, %parallel_loop3A_184, %parallel_loop3A_185], %parallel_loop3A_188 {strides = array<i32>} : memref<6x128x128xf32, #tpu.memory_space<vmem>>, vector<1x1x16xf32>,
      %parallel_loop3A_189 = arith.constant 5 : i32
      %parallel_loop3A_190 = arith.index_cast %parallel_loop3A_189 : i32 to index
      %parallel_loop3A_191 = arith.index_cast %parallel_loop3A_139 : i32 to index
      %parallel_loop3A_192 = arith.constant 112 : index
      %parallel_loop3A_193 = tpu.vector_load %arg8[%parallel_loop3A_190, %parallel_loop3A_191, %parallel_loop3A_192] {strides = array<i32>} : memref<6x128x128xf32, #tpu.memory_space<vmem>>, vector<1x1x16xf32>,
      %parallel_loop3A_194 = vector.shape_cast %parallel_loop3A_193 : vector<1x1x16xf32> to vector<16xf32>
      %parallel_loop3A_195 = vector.shape_cast %broadcast_in_dim3A_60 : vector<16xf32> to vector<1x1x16xf32>
      tpu.vector_store %arg8[%parallel_loop3A_190, %parallel_loop3A_191, %parallel_loop3A_192], %parallel_loop3A_195 {strides = array<i32>} : memref<6x128x128xf32, #tpu.memory_space<vmem>>, vector<1x1x16xf32>,
    } {sc.loop_unroll_factor = 1 : i64, sc.parallel_access}
    %mul3A_111 = arith.constant 136 : i32
    %mul3A_112 = arith.muli %arg1, %mul3A_111 : i32
    %run_scoped3A = arith.constant 5 : i32
    "tpu.region"() ({
      %run_scoped3A_139 = tpu.sem_alloc : memref<!tpu.dma_semaphore, #tpu.memory_space<semaphore_mem>>
      %dma_start3A = arith.constant 0 : i32
      %dma_start3A_140 = arith.constant 0 : i32
      %dma_start3A_141 = tpu.memref_slice %arg8[%run_scoped3A, %dma_start3A, %dma_start3A_140] : memref<6x128x128xf32, #tpu.memory_space<vmem>> -> memref<1x136x128xf32, #tpu.memory_space<vmem>>
      %dma_start3A_142 = tpu.memref_squeeze %dma_start3A_141 : memref<1x136x128xf32, #tpu.memory_space<vmem>> -> memref<136x128xf32, #tpu.memory_space<vmem>>
      %dma_start3A_143 = arith.constant 0 : i32
      %dma_start3A_144 = tpu.memref_slice %arg10[%mul3A_112, %dma_start3A_143] : memref<2176x128xf32, #tpu.memory_space<vmem_shared>> -> memref<136x128xf32, #tpu.memory_space<vmem_shared>>
      %dma_start3A_145 = arith.constant 0 : i32
      %dma_start3A_146 = tpu.memref_slice %arg10[%mul3A_112, %dma_start3A_145] : memref<2176x128xf32, #tpu.memory_space<vmem_shared>> -> memref<136x128xf32, #tpu.memory_space<vmem_shared>>
      %dma_start3A_147 = arith.constant 0 : i32
      %dma_start3A_148 = arith.constant 0 : i32
      %dma_start3A_149 = tpu.memref_slice %arg8[%run_scoped3A, %dma_start3A_147, %dma_start3A_148] : memref<6x128x128xf32, #tpu.memory_space<vmem>> -> memref<1x136x128xf32, #tpu.memory_space<vmem>>
      %dma_start3A_150 = tpu.memref_squeeze %dma_start3A_149 : memref<1x136x128xf32, #tpu.memory_space<vmem>> -> memref<136x128xf32, #tpu.memory_space<vmem>>
      tpu.enqueue_dma source(%dma_start3A_150 : memref<136x128xf32, #tpu.memory_space<vmem>>) target(%dma_start3A_146 : memref<136x128xf32, #tpu.memory_space<vmem_shared>>) target_semaphore(%run_scoped3A_139 : memref<!tpu.dma_semaphore, #tpu.memory_space<semaphore_mem>>)
      %dma_wait3A = arith.constant 0 : i32
      %dma_wait3A_151 = arith.constant 0 : i32
      %dma_wait3A_152 = tpu.memref_slice %arg8[%run_scoped3A, %dma_wait3A, %dma_wait3A_151] : memref<6x128x128xf32, #tpu.memory_space<vmem>> -> memref<1x136x128xf32, #tpu.memory_space<vmem>>
      %dma_wait3A_153 = tpu.memref_squeeze %dma_wait3A_152 : memref<1x136x128xf32, #tpu.memory_space<vmem>> -> memref<136x128xf32, #tpu.memory_space<vmem>>
      %dma_wait3A_154 = arith.constant 0 : i32
      %dma_wait3A_155 = tpu.memref_slice %arg10[%mul3A_112, %dma_wait3A_154] : memref<2176x128xf32, #tpu.memory_space<vmem_shared>> -> memref<136x128xf32, #tpu.memory_space<vmem_shared>>
      %dma_wait3A_156 = arith.constant 0 : i32
      %dma_wait3A_157 = tpu.memref_slice %arg10[%mul3A_112, %dma_wait3A_156] : memref<2176x128xf32, #tpu.memory_space<vmem_shared>> -> memref<136x128xf32, #tpu.memory_space<vmem_shared>>
      %dma_wait3A_158 = arith.constant 0 : i32
      %dma_wait3A_159 = arith.constant 0 : i32
      %dma_wait3A_160 = tpu.memref_slice %arg8[%run_scoped3A, %dma_wait3A_158, %dma_wait3A_159] : memref<6x128x128xf32, #tpu.memory_space<vmem>> -> memref<1x136x128xf32, #tpu.memory_space<vmem>>
      %dma_wait3A_161 = tpu.memref_squeeze %dma_wait3A_160 : memref<1x136x128xf32, #tpu.memory_space<vmem>> -> memref<136x128xf32, #tpu.memory_space<vmem>>
      tpu.wait_dma2 semaphore(%run_scoped3A_139 : memref<!tpu.dma_semaphore, #tpu.memory_space<semaphore_mem>>) src(%dma_wait3A_161 : memref<136x128xf32, #tpu.memory_space<vmem>>) dst(%dma_wait3A_157 : memref<136x128xf32, #tpu.memory_space<vmem_shared>>)
      tpu.yield
    }) : () -> ()
    %barrier3A = arith.constant 0 : index
    tpu.barrier barrier_id(%barrier3A)
    %while3A = arith.constant 0 : i32
    %while3A_113 = arith.constant 0 : i32
    %while3A_114 = arith.subi %select_n3A_91, %while3A_113 : i32
    %while3A_115 = arith.addi %while3A_113, %while3A_114 : i32
    %while3A_116 = arith.constant 1 : i32
    %while3A_117 = arith.divsi %while3A_114, %while3A_116 : i32
    %while3A_118 = arith.muli %while3A_117, %while3A_116 : i32
    %while3A_119 = arith.addi %while3A_113, %while3A_118 : i32
    %while3A_120 = arith.constant 1 : i32
    scf.for %while3A_139 = %while3A_113 to %while3A_119 step %while3A_120  : i32 {
      %ge3A_140 = arith.constant 2 : i32
      %ge3A_141 = arith.cmpi sge, %while3A_139, %ge3A_140 : i32
      %convert_element_type3A_142 = arith.extui %ge3A_141 : i1 to i32
      %cond3A_143 = arith.constant 0 : i32
      %cond3A_144 = arith.cmpi ne, %convert_element_type3A_142, %cond3A_143 : i32
      scf.if %cond3A_144 {
        %sub3A_422 = arith.constant 2 : i32
        %sub3A_423 = arith.subi %while3A_139, %sub3A_422 : i32
        %jit3A_424 = arith.constant 6 : i32
        %eq3A_425 = arith.constant 0 : i32
        %eq3A_426 = arith.cmpi eq, %jit3A_424, %eq3A_425 : i32
        %jit3A_427 = arith.constant 1 : i32
        %select_n3A_428 = arith.select %eq3A_426, %jit3A_427, %jit3A_424 : i32
        %rem3A_429 = arith.remsi %sub3A_423, %select_n3A_428 : i32
        %ne3A_430 = arith.constant 0 : i32
        %ne3A_431 = arith.cmpi ne, %rem3A_429, %ne3A_430 : i32
        %lt3A_432 = arith.constant 0 : i32
        %lt3A_433 = arith.cmpi slt, %rem3A_429, %lt3A_432 : i32
        %lt3A_434 = arith.constant 0 : i32
        %lt3A_435 = arith.cmpi slt, %select_n3A_428, %lt3A_434 : i32
        %ne3A_436 = arith.xori %lt3A_433, %lt3A_435 : i1
        %and3A_437 = arith.andi %ne3A_436, %ne3A_431 : i1
        %add3A_438 = arith.addi %rem3A_429, %select_n3A_428 : i32
        %select_n3A_439 = arith.select %and3A_437, %add3A_438, %rem3A_429 : i32
        %dma_wait3A_440 = arith.constant 0 : i32
        %dma_wait3A_441 = arith.constant 0 : i32
        %dma_wait3A_442 = tpu.memref_slice %arg8[%select_n3A_439, %dma_wait3A_440, %dma_wait3A_441] : memref<6x128x128xf32, #tpu.memory_space<vmem>> -> memref<1x128x128xf32, #tpu.memory_space<vmem>>
        %dma_wait3A_443 = tpu.memref_squeeze %dma_wait3A_442 : memref<1x128x128xf32, #tpu.memory_space<vmem>> -> memref<128x128xf32, #tpu.memory_space<vmem>>
        %dma_wait3A_444 = arith.constant 0 : i32
        %dma_wait3A_445 = tpu.memref_slice %arg9[%select_n3A_439, %dma_wait3A_444] : memref<6x128xi32, #tpu.memory_space<vmem>> -> memref<1x128xi32, #tpu.memory_space<vmem>>
        %dma_wait3A_446 = tpu.memref_squeeze %dma_wait3A_445 : memref<1x128xi32, #tpu.memory_space<vmem>> -> memref<128xi32, #tpu.memory_space<vmem>>
        %dma_wait3A_447 = arith.constant 0 : i32
        %dma_wait3A_448 = arith.constant 0 : i32
        %dma_wait3A_449 = tpu.memref_slice %arg10[%dma_wait3A_447, %dma_wait3A_448] : memref<2176x128xf32, #tpu.memory_space<vmem_shared>> -> memref<2176x128xf32, #tpu.memory_space<vmem_shared>>
        %dma_wait3A_450 = tpu.memref_slice %arg12[%select_n3A_439] : memref<6x!tpu.dma_semaphore, #tpu.memory_space<semaphore_mem>> -> memref<1x!tpu.dma_semaphore, #tpu.memory_space<semaphore_mem>>
        %dma_wait3A_451 = tpu.memref_squeeze %dma_wait3A_450 : memref<1x!tpu.dma_semaphore, #tpu.memory_space<semaphore_mem>> -> memref<!tpu.dma_semaphore, #tpu.memory_space<semaphore_mem>>
        tpu.wait_indirect_dma semaphore(%dma_wait3A_451 : memref<!tpu.dma_semaphore, #tpu.memory_space<semaphore_mem>>) src(%dma_wait3A_443 : memref<128x128xf32, #tpu.memory_space<vmem>>) dst(%dma_wait3A_449 : memref<2176x128xf32, #tpu.memory_space<vmem_shared>>)
      } else {
      }
      %add3A_145 = arith.constant 4 : i32
      %add3A_146 = arith.addi %while3A_139, %add3A_145 : i32
      %lt3A = arith.cmpi slt, %add3A_146, %select_n3A_91 : i32
      %convert_element_type3A_147 = arith.extui %lt3A : i1 to i32
      %cond3A_148 = arith.constant 0 : i32
      %cond3A_149 = arith.cmpi ne, %convert_element_type3A_147, %cond3A_148 : i32
      scf.if %cond3A_149 {
        %add3A_422 = arith.constant 4 : i32
        %add3A_423 = arith.addi %while3A_139, %add3A_422 : i32
        %jit3A_424 = arith.constant 6 : i32
        %eq3A_425 = arith.constant 0 : i32
        %eq3A_426 = arith.cmpi eq, %jit3A_424, %eq3A_425 : i32
        %jit3A_427 = arith.constant 1 : i32
        %select_n3A_428 = arith.select %eq3A_426, %jit3A_427, %jit3A_424 : i32
        %rem3A_429 = arith.remsi %add3A_423, %select_n3A_428 : i32
        %ne3A_430 = arith.constant 0 : i32
        %ne3A_431 = arith.cmpi ne, %rem3A_429, %ne3A_430 : i32
        %lt3A_432 = arith.constant 0 : i32
        %lt3A_433 = arith.cmpi slt, %rem3A_429, %lt3A_432 : i32
        %lt3A_434 = arith.constant 0 : i32
        %lt3A_435 = arith.cmpi slt, %select_n3A_428, %lt3A_434 : i32
        %ne3A_436 = arith.xori %lt3A_433, %lt3A_435 : i1
        %and3A_437 = arith.andi %ne3A_436, %ne3A_431 : i1
        %add3A_438 = arith.addi %rem3A_429, %select_n3A_428 : i32
        %select_n3A_439 = arith.select %and3A_437, %add3A_438, %rem3A_429 : i32
        %mul3A_440 = arith.constant 128 : i32
        %mul3A_441 = arith.muli %add3A_423, %mul3A_440 : i32
        %add3A_442 = arith.addi %and3A_62, %mul3A_441 : i32
        %min3A_443 = arith.constant 99872 : i32
        %min3A_444 = arith.minsi %add3A_442, %min3A_443 : i32
        %multiple_of3A_445 = tpu.assume_multiple %min3A_444, 8 : i32
        %mul3A_446 = arith.constant 128 : i32
        %mul3A_447 = arith.muli %select_n3A_439, %mul3A_446 : i32
        %multiple_of3A_448 = tpu.assume_multiple %mul3A_447, 128 : i32
        %dma_start3A_449 = tpu.memref_slice %arg7[%multiple_of3A_448] : memref<768xi32, #tpu.memory_space<vmem>> -> memref<128xi32, #tpu.memory_space<vmem>>
        %dma_start3A_450 = tpu.memref_slice %arg3[%multiple_of3A_445] : memref<100000xi32, #tpu.memory_space<hbm>> -> memref<128xi32, #tpu.memory_space<hbm>>
        %dma_start3A_451 = tpu.memref_slice %arg11[%select_n3A_439] : memref<6x!tpu.dma_semaphore, #tpu.memory_space<semaphore_mem>> -> memref<1x!tpu.dma_semaphore, #tpu.memory_space<semaphore_mem>>
        %dma_start3A_452 = tpu.memref_squeeze %dma_start3A_451 : memref<1x!tpu.dma_semaphore, #tpu.memory_space<semaphore_mem>> -> memref<!tpu.dma_semaphore, #tpu.memory_space<semaphore_mem>>
        %dma_start3A_453 = tpu.memref_slice %arg7[%multiple_of3A_448] : memref<768xi32, #tpu.memory_space<vmem>> -> memref<128xi32, #tpu.memory_space<vmem>>
        %dma_start3A_454 = tpu.memref_slice %arg3[%multiple_of3A_445] : memref<100000xi32, #tpu.memory_space<hbm>> -> memref<128xi32, #tpu.memory_space<hbm>>
        tpu.enqueue_dma source(%dma_start3A_454 : memref<128xi32, #tpu.memory_space<hbm>>) target(%dma_start3A_453 : memref<128xi32, #tpu.memory_space<vmem>>) target_semaphore(%dma_start3A_452 : memref<!tpu.dma_semaphore, #tpu.memory_space<semaphore_mem>>)
        %dma_start3A_455 = arith.constant 0 : i32
        %dma_start3A_456 = arith.constant 0 : i32
        %dma_start3A_457 = tpu.memref_slice %arg8[%select_n3A_439, %dma_start3A_455, %dma_start3A_456] : memref<6x128x128xf32, #tpu.memory_space<vmem>> -> memref<1x128x128xf32, #tpu.memory_space<vmem>>
        %dma_start3A_458 = tpu.memref_squeeze %dma_start3A_457 : memref<1x128x128xf32, #tpu.memory_space<vmem>> -> memref<128x128xf32, #tpu.memory_space<vmem>>
        %dma_start3A_459 = arith.constant 0 : i32
        %dma_start3A_460 = tpu.memref_slice %arg2[%multiple_of3A_445, %dma_start3A_459] : memref<100000x128xf32, #tpu.memory_space<hbm>> -> memref<128x128xf32, #tpu.memory_space<hbm>>
        %dma_start3A_461 = tpu.memref_slice %arg11[%select_n3A_439] : memref<6x!tpu.dma_semaphore, #tpu.memory_space<semaphore_mem>> -> memref<1x!tpu.dma_semaphore, #tpu.memory_space<semaphore_mem>>
        %dma_start3A_462 = tpu.memref_squeeze %dma_start3A_461 : memref<1x!tpu.dma_semaphore, #tpu.memory_space<semaphore_mem>> -> memref<!tpu.dma_semaphore, #tpu.memory_space<semaphore_mem>>
        %dma_start3A_463 = arith.constant 0 : i32
        %dma_start3A_464 = arith.constant 0 : i32
        %dma_start3A_465 = tpu.memref_slice %arg8[%select_n3A_439, %dma_start3A_463, %dma_start3A_464] : memref<6x128x128xf32, #tpu.memory_space<vmem>> -> memref<1x128x128xf32, #tpu.memory_space<vmem>>
        %dma_start3A_466 = tpu.memref_squeeze %dma_start3A_465 : memref<1x128x128xf32, #tpu.memory_space<vmem>> -> memref<128x128xf32, #tpu.memory_space<vmem>>
        %dma_start3A_467 = arith.constant 0 : i32
        %dma_start3A_468 = tpu.memref_slice %arg2[%multiple_of3A_445, %dma_start3A_467] : memref<100000x128xf32, #tpu.memory_space<hbm>> -> memref<128x128xf32, #tpu.memory_space<hbm>>
        tpu.enqueue_dma source(%dma_start3A_468 : memref<128x128xf32, #tpu.memory_space<hbm>>) target(%dma_start3A_466 : memref<128x128xf32, #tpu.memory_space<vmem>>) target_semaphore(%dma_start3A_462 : memref<!tpu.dma_semaphore, #tpu.memory_space<semaphore_mem>>)
      } else {
      }
      %jit3A_150 = arith.constant 6 : i32
      %eq3A = arith.constant 0 : i32
      %eq3A_151 = arith.cmpi eq, %jit3A_150, %eq3A : i32
      %jit3A_152 = arith.constant 1 : i32
      %select_n3A_153 = arith.select %eq3A_151, %jit3A_152, %jit3A_150 : i32
      %rem3A_154 = arith.remsi %while3A_139, %select_n3A_153 : i32
      %ne3A_155 = arith.constant 0 : i32
      %ne3A_156 = arith.cmpi ne, %rem3A_154, %ne3A_155 : i32
      %lt3A_157 = arith.constant 0 : i32
      %lt3A_158 = arith.cmpi slt, %rem3A_154, %lt3A_157 : i32
      %lt3A_159 = arith.constant 0 : i32
      %lt3A_160 = arith.cmpi slt, %select_n3A_153, %lt3A_159 : i32
      %ne3A_161 = arith.xori %lt3A_158, %lt3A_160 : i1
      %and3A_162 = arith.andi %ne3A_161, %ne3A_156 : i1
      %add3A_163 = arith.addi %rem3A_154, %select_n3A_153 : i32
      %select_n3A_164 = arith.select %and3A_162, %add3A_163, %rem3A_154 : i32
      %mul3A_165 = arith.constant 128 : i32
      %mul3A_166 = arith.muli %while3A_139, %mul3A_165 : i32
      %add3A_167 = arith.addi %and3A_62, %mul3A_166 : i32
      %min3A = arith.constant 99872 : i32
      %min3A_168 = arith.minsi %add3A_167, %min3A : i32
      %multiple_of3A = tpu.assume_multiple %min3A_168, 8 : i32
      %mul3A_169 = arith.constant 128 : i32
      %mul3A_170 = arith.muli %select_n3A_164, %mul3A_169 : i32
      %multiple_of3A_171 = tpu.assume_multiple %mul3A_170, 128 : i32
      %dma_wait3A = tpu.memref_slice %arg7[%multiple_of3A_171] : memref<768xi32, #tpu.memory_space<vmem>> -> memref<128xi32, #tpu.memory_space<vmem>>
      %dma_wait3A_172 = tpu.memref_slice %arg3[%multiple_of3A] : memref<100000xi32, #tpu.memory_space<hbm>> -> memref<128xi32, #tpu.memory_space<hbm>>
      %dma_wait3A_173 = tpu.memref_slice %arg11[%select_n3A_164] : memref<6x!tpu.dma_semaphore, #tpu.memory_space<semaphore_mem>> -> memref<1x!tpu.dma_semaphore, #tpu.memory_space<semaphore_mem>>
      %dma_wait3A_174 = tpu.memref_squeeze %dma_wait3A_173 : memref<1x!tpu.dma_semaphore, #tpu.memory_space<semaphore_mem>> -> memref<!tpu.dma_semaphore, #tpu.memory_space<semaphore_mem>>
      %dma_wait3A_175 = tpu.memref_slice %arg7[%multiple_of3A_171] : memref<768xi32, #tpu.memory_space<vmem>> -> memref<128xi32, #tpu.memory_space<vmem>>
      %dma_wait3A_176 = tpu.memref_slice %arg3[%multiple_of3A] : memref<100000xi32, #tpu.memory_space<hbm>> -> memref<128xi32, #tpu.memory_space<hbm>>
      tpu.wait_dma2 semaphore(%dma_wait3A_174 : memref<!tpu.dma_semaphore, #tpu.memory_space<semaphore_mem>>) src(%dma_wait3A_176 : memref<128xi32, #tpu.memory_space<hbm>>) dst(%dma_wait3A_175 : memref<128xi32, #tpu.memory_space<vmem>>)
      %dma_wait3A_177 = arith.constant 0 : i32
      %dma_wait3A_178 = arith.constant 0 : i32
      %dma_wait3A_179 = tpu.memref_slice %arg8[%select_n3A_164, %dma_wait3A_177, %dma_wait3A_178] : memref<6x128x128xf32, #tpu.memory_space<vmem>> -> memref<1x128x128xf32, #tpu.memory_space<vmem>>
      %dma_wait3A_180 = tpu.memref_squeeze %dma_wait3A_179 : memref<1x128x128xf32, #tpu.memory_space<vmem>> -> memref<128x128xf32, #tpu.memory_space<vmem>>
      %dma_wait3A_181 = arith.constant 0 : i32
      %dma_wait3A_182 = tpu.memref_slice %arg2[%multiple_of3A, %dma_wait3A_181] : memref<100000x128xf32, #tpu.memory_space<hbm>> -> memref<128x128xf32, #tpu.memory_space<hbm>>
      %dma_wait3A_183 = tpu.memref_slice %arg11[%select_n3A_164] : memref<6x!tpu.dma_semaphore, #tpu.memory_space<semaphore_mem>> -> memref<1x!tpu.dma_semaphore, #tpu.memory_space<semaphore_mem>>
      %dma_wait3A_184 = tpu.memref_squeeze %dma_wait3A_183 : memref<1x!tpu.dma_semaphore, #tpu.memory_space<semaphore_mem>> -> memref<!tpu.dma_semaphore, #tpu.memory_space<semaphore_mem>>
      %dma_wait3A_185 = arith.constant 0 : i32
      %dma_wait3A_186 = arith.constant 0 : i32
      %dma_wait3A_187 = tpu.memref_slice %arg8[%select_n3A_164, %dma_wait3A_185, %dma_wait3A_186] : memref<6x128x128xf32, #tpu.memory_space<vmem>> -> memref<1x128x128xf32, #tpu.memory_space<vmem>>
      %dma_wait3A_188 = tpu.memref_squeeze %dma_wait3A_187 : memref<1x128x128xf32, #tpu.memory_space<vmem>> -> memref<128x128xf32, #tpu.memory_space<vmem>>
      %dma_wait3A_189 = arith.constant 0 : i32
      %dma_wait3A_190 = tpu.memref_slice %arg2[%multiple_of3A, %dma_wait3A_189] : memref<100000x128xf32, #tpu.memory_space<hbm>> -> memref<128x128xf32, #tpu.memory_space<hbm>>
      tpu.wait_dma2 semaphore(%dma_wait3A_184 : memref<!tpu.dma_semaphore, #tpu.memory_space<semaphore_mem>>) src(%dma_wait3A_190 : memref<128x128xf32, #tpu.memory_space<hbm>>) dst(%dma_wait3A_188 : memref<128x128xf32, #tpu.memory_space<vmem>>)
      %max3A = arith.maxsi %add3A_29, %add3A_167 : i32
      %sub3A_191 = arith.subi %max3A, %multiple_of3A : i32
      %add3A_192 = arith.constant 128 : i32
      %add3A_193 = arith.addi %add3A_167, %add3A_192 : i32
      %min3A_194 = arith.minsi %add3A_57, %add3A_193 : i32
      %sub3A_195 = arith.subi %min3A_194, %multiple_of3A : i32
      %mul3A_196 = arith.constant 128 : i32
      %mul3A_197 = arith.muli %select_n3A_164, %mul3A_196 : i32
      %add3A_198 = arith.constant 0 : i32
      %add3A_199 = arith.addi %mul3A_197, %add3A_198 : i32
      %multiple_of3A_200 = tpu.assume_multiple %add3A_199, 16 : i32
      %get3A_201 = arith.index_cast %multiple_of3A_200 : i32 to index
      %get3A_202 = tpu.vector_load %arg7[%get3A_201] {strides = array<i32>} : memref<768xi32, #tpu.memory_space<vmem>>, vector<16xi32>,
      %get3A_203 = vector.shape_cast %get3A_202 : vector<16xi32> to vector<16xi32>
      %add3A_204 = arith.constant 0 : i32
      %add3A_205 = vector.broadcast %add3A_204 : i32 to vector<16xi32>
      %add3A_206 = arith.addi %add3A_205, %iota3A : vector<16xi32>
      %ge3A_207 = vector.broadcast %sub3A_191 : i32 to vector<16xi32>
      %ge3A_208 = arith.cmpi sge, %add3A_206, %ge3A_207 : vector<16xi32>
      %lt3A_209 = vector.broadcast %sub3A_195 : i32 to vector<16xi32>
      %lt3A_210 = arith.cmpi slt, %add3A_206, %lt3A_209 : vector<16xi32>
      %and3A_211 = arith.andi %ge3A_208, %lt3A_210 : vector<16xi1>
      %sub3A_212 = vector.broadcast %mul3A_59 : i32 to vector<16xi32>
      %sub3A_213 = arith.subi %get3A_203, %sub3A_212 : vector<16xi32>
      %add3A_214 = arith.constant 2048 : i32
      %add3A_215 = vector.broadcast %add3A_214 : i32 to vector<16xi32>
      %add3A_216 = arith.addi %add3A_215, %iota3A : vector<16xi32>
      %select_n3A_217 = arith.select %and3A_211, %sub3A_213, %add3A_216 : vector<16xi1>, vector<16xi32>
      %swap3A = arith.index_cast %select_n3A_164 : i32 to index
      %swap3A_218 = arith.constant 0 : index
      %swap3A_219 = tpu.vector_load %arg9[%swap3A, %swap3A_218] {strides = array<i32>} : memref<6x128xi32, #tpu.memory_space<vmem>>, vector<1x16xi32>,
      %swap3A_220 = vector.shape_cast %swap3A_219 : vector<1x16xi32> to vector<16xi32>
      %swap3A_221 = vector.shape_cast %select_n3A_217 : vector<16xi32> to vector<1x16xi32>
      tpu.vector_store %arg9[%swap3A, %swap3A_218], %swap3A_221 {strides = array<i32>} : memref<6x128xi32, #tpu.memory_space<vmem>>, vector<1x16xi32>,
      %mul3A_222 = arith.constant 128 : i32
      %mul3A_223 = arith.muli %select_n3A_164, %mul3A_222 : i32
      %add3A_224 = arith.constant 16 : i32
      %add3A_225 = arith.addi %mul3A_223, %add3A_224 : i32
      %multiple_of3A_226 = tpu.assume_multiple %add3A_225, 16 : i32
      %get3A_227 = arith.index_cast %multiple_of3A_226 : i32 to index
      %get3A_228 = tpu.vector_load %arg7[%get3A_227] {strides = array<i32>} : memref<768xi32, #tpu.memory_space<vmem>>, vector<16xi32>,
      %get3A_229 = vector.shape_cast %get3A_228 : vector<16xi32> to vector<16xi32>
      %add3A_230 = arith.constant 16 : i32
      %add3A_231 = vector.broadcast %add3A_230 : i32 to vector<16xi32>
      %add3A_232 = arith.addi %add3A_231, %iota3A : vector<16xi32>
      %ge3A_233 = vector.broadcast %sub3A_191 : i32 to vector<16xi32>
      %ge3A_234 = arith.cmpi sge, %add3A_232, %ge3A_233 : vector<16xi32>
      %lt3A_235 = vector.broadcast %sub3A_195 : i32 to vector<16xi32>
      %lt3A_236 = arith.cmpi slt, %add3A_232, %lt3A_235 : vector<16xi32>
      %and3A_237 = arith.andi %ge3A_234, %lt3A_236 : vector<16xi1>
      %sub3A_238 = vector.broadcast %mul3A_59 : i32 to vector<16xi32>
      %sub3A_239 = arith.subi %get3A_229, %sub3A_238 : vector<16xi32>
      %add3A_240 = arith.constant 2048 : i32
      %add3A_241 = vector.broadcast %add3A_240 : i32 to vector<16xi32>
      %add3A_242 = arith.addi %add3A_241, %iota3A : vector<16xi32>
      %select_n3A_243 = arith.select %and3A_237, %sub3A_239, %add3A_242 : vector<16xi1>, vector<16xi32>
      %swap3A_244 = arith.index_cast %select_n3A_164 : i32 to index
      %swap3A_245 = arith.constant 16 : index
      %swap3A_246 = tpu.vector_load %arg9[%swap3A_244, %swap3A_245] {strides = array<i32>} : memref<6x128xi32, #tpu.memory_space<vmem>>, vector<1x16xi32>,
      %swap3A_247 = vector.shape_cast %swap3A_246 : vector<1x16xi32> to vector<16xi32>
      %swap3A_248 = vector.shape_cast %select_n3A_243 : vector<16xi32> to vector<1x16xi32>
      tpu.vector_store %arg9[%swap3A_244, %swap3A_245], %swap3A_248 {strides = array<i32>} : memref<6x128xi32, #tpu.memory_space<vmem>>, vector<1x16xi32>,
      %mul3A_249 = arith.constant 128 : i32
      %mul3A_250 = arith.muli %select_n3A_164, %mul3A_249 : i32
      %add3A_251 = arith.constant 32 : i32
      %add3A_252 = arith.addi %mul3A_250, %add3A_251 : i32
      %multiple_of3A_253 = tpu.assume_multiple %add3A_252, 16 : i32
      %get3A_254 = arith.index_cast %multiple_of3A_253 : i32 to index
      %get3A_255 = tpu.vector_load %arg7[%get3A_254] {strides = array<i32>} : memref<768xi32, #tpu.memory_space<vmem>>, vector<16xi32>,
      %get3A_256 = vector.shape_cast %get3A_255 : vector<16xi32> to vector<16xi32>
      %add3A_257 = arith.constant 32 : i32
      %add3A_258 = vector.broadcast %add3A_257 : i32 to vector<16xi32>
      %add3A_259 = arith.addi %add3A_258, %iota3A : vector<16xi32>
      %ge3A_260 = vector.broadcast %sub3A_191 : i32 to vector<16xi32>
      %ge3A_261 = arith.cmpi sge, %add3A_259, %ge3A_260 : vector<16xi32>
      %lt3A_262 = vector.broadcast %sub3A_195 : i32 to vector<16xi32>
      %lt3A_263 = arith.cmpi slt, %add3A_259, %lt3A_262 : vector<16xi32>
      %and3A_264 = arith.andi %ge3A_261, %lt3A_263 : vector<16xi1>
      %sub3A_265 = vector.broadcast %mul3A_59 : i32 to vector<16xi32>
      %sub3A_266 = arith.subi %get3A_256, %sub3A_265 : vector<16xi32>
      %add3A_267 = arith.constant 2048 : i32
      %add3A_268 = vector.broadcast %add3A_267 : i32 to vector<16xi32>
      %add3A_269 = arith.addi %add3A_268, %iota3A : vector<16xi32>
      %select_n3A_270 = arith.select %and3A_264, %sub3A_266, %add3A_269 : vector<16xi1>, vector<16xi32>
      %swap3A_271 = arith.index_cast %select_n3A_164 : i32 to index
      %swap3A_272 = arith.constant 32 : index
      %swap3A_273 = tpu.vector_load %arg9[%swap3A_271, %swap3A_272] {strides = array<i32>} : memref<6x128xi32, #tpu.memory_space<vmem>>, vector<1x16xi32>,
      %swap3A_274 = vector.shape_cast %swap3A_273 : vector<1x16xi32> to vector<16xi32>
      %swap3A_275 = vector.shape_cast %select_n3A_270 : vector<16xi32> to vector<1x16xi32>
      tpu.vector_store %arg9[%swap3A_271, %swap3A_272], %swap3A_275 {strides = array<i32>} : memref<6x128xi32, #tpu.memory_space<vmem>>, vector<1x16xi32>,
      %mul3A_276 = arith.constant 128 : i32
      %mul3A_277 = arith.muli %select_n3A_164, %mul3A_276 : i32
      %add3A_278 = arith.constant 48 : i32
      %add3A_279 = arith.addi %mul3A_277, %add3A_278 : i32
      %multiple_of3A_280 = tpu.assume_multiple %add3A_279, 16 : i32
      %get3A_281 = arith.index_cast %multiple_of3A_280 : i32 to index
      %get3A_282 = tpu.vector_load %arg7[%get3A_281] {strides = array<i32>} : memref<768xi32, #tpu.memory_space<vmem>>, vector<16xi32>,
      %get3A_283 = vector.shape_cast %get3A_282 : vector<16xi32> to vector<16xi32>
      %add3A_284 = arith.constant 48 : i32
      %add3A_285 = vector.broadcast %add3A_284 : i32 to vector<16xi32>
      %add3A_286 = arith.addi %add3A_285, %iota3A : vector<16xi32>
      %ge3A_287 = vector.broadcast %sub3A_191 : i32 to vector<16xi32>
      %ge3A_288 = arith.cmpi sge, %add3A_286, %ge3A_287 : vector<16xi32>
      %lt3A_289 = vector.broadcast %sub3A_195 : i32 to vector<16xi32>
      %lt3A_290 = arith.cmpi slt, %add3A_286, %lt3A_289 : vector<16xi32>
      %and3A_291 = arith.andi %ge3A_288, %lt3A_290 : vector<16xi1>
      %sub3A_292 = vector.broadcast %mul3A_59 : i32 to vector<16xi32>
      %sub3A_293 = arith.subi %get3A_283, %sub3A_292 : vector<16xi32>
      %add3A_294 = arith.constant 2048 : i32
      %add3A_295 = vector.broadcast %add3A_294 : i32 to vector<16xi32>
      %add3A_296 = arith.addi %add3A_295, %iota3A : vector<16xi32>
      %select_n3A_297 = arith.select %and3A_291, %sub3A_293, %add3A_296 : vector<16xi1>, vector<16xi32>
      %swap3A_298 = arith.index_cast %select_n3A_164 : i32 to index
      %swap3A_299 = arith.constant 48 : index
      %swap3A_300 = tpu.vector_load %arg9[%swap3A_298, %swap3A_299] {strides = array<i32>} : memref<6x128xi32, #tpu.memory_space<vmem>>, vector<1x16xi32>,
      %swap3A_301 = vector.shape_cast %swap3A_300 : vector<1x16xi32> to vector<16xi32>
      %swap3A_302 = vector.shape_cast %select_n3A_297 : vector<16xi32> to vector<1x16xi32>
      tpu.vector_store %arg9[%swap3A_298, %swap3A_299], %swap3A_302 {strides = array<i32>} : memref<6x128xi32, #tpu.memory_space<vmem>>, vector<1x16xi32>,
      %mul3A_303 = arith.constant 128 : i32
      %mul3A_304 = arith.muli %select_n3A_164, %mul3A_303 : i32
      %add3A_305 = arith.constant 64 : i32
      %add3A_306 = arith.addi %mul3A_304, %add3A_305 : i32
      %multiple_of3A_307 = tpu.assume_multiple %add3A_306, 16 : i32
      %get3A_308 = arith.index_cast %multiple_of3A_307 : i32 to index
      %get3A_309 = tpu.vector_load %arg7[%get3A_308] {strides = array<i32>} : memref<768xi32, #tpu.memory_space<vmem>>, vector<16xi32>,
      %get3A_310 = vector.shape_cast %get3A_309 : vector<16xi32> to vector<16xi32>
      %add3A_311 = arith.constant 64 : i32
      %add3A_312 = vector.broadcast %add3A_311 : i32 to vector<16xi32>
      %add3A_313 = arith.addi %add3A_312, %iota3A : vector<16xi32>
      %ge3A_314 = vector.broadcast %sub3A_191 : i32 to vector<16xi32>
      %ge3A_315 = arith.cmpi sge, %add3A_313, %ge3A_314 : vector<16xi32>
      %lt3A_316 = vector.broadcast %sub3A_195 : i32 to vector<16xi32>
      %lt3A_317 = arith.cmpi slt, %add3A_313, %lt3A_316 : vector<16xi32>
      %and3A_318 = arith.andi %ge3A_315, %lt3A_317 : vector<16xi1>
      %sub3A_319 = vector.broadcast %mul3A_59 : i32 to vector<16xi32>
      %sub3A_320 = arith.subi %get3A_310, %sub3A_319 : vector<16xi32>
      %add3A_321 = arith.constant 2048 : i32
      %add3A_322 = vector.broadcast %add3A_321 : i32 to vector<16xi32>
      %add3A_323 = arith.addi %add3A_322, %iota3A : vector<16xi32>
      %select_n3A_324 = arith.select %and3A_318, %sub3A_320, %add3A_323 : vector<16xi1>, vector<16xi32>
      %swap3A_325 = arith.index_cast %select_n3A_164 : i32 to index
      %swap3A_326 = arith.constant 64 : index
      %swap3A_327 = tpu.vector_load %arg9[%swap3A_325, %swap3A_326] {strides = array<i32>} : memref<6x128xi32, #tpu.memory_space<vmem>>, vector<1x16xi32>,
      %swap3A_328 = vector.shape_cast %swap3A_327 : vector<1x16xi32> to vector<16xi32>
      %swap3A_329 = vector.shape_cast %select_n3A_324 : vector<16xi32> to vector<1x16xi32>
      tpu.vector_store %arg9[%swap3A_325, %swap3A_326], %swap3A_329 {strides = array<i32>} : memref<6x128xi32, #tpu.memory_space<vmem>>, vector<1x16xi32>,
      %mul3A_330 = arith.constant 128 : i32
      %mul3A_331 = arith.muli %select_n3A_164, %mul3A_330 : i32
      %add3A_332 = arith.constant 80 : i32
      %add3A_333 = arith.addi %mul3A_331, %add3A_332 : i32
      %multiple_of3A_334 = tpu.assume_multiple %add3A_333, 16 : i32
      %get3A_335 = arith.index_cast %multiple_of3A_334 : i32 to index
      %get3A_336 = tpu.vector_load %arg7[%get3A_335] {strides = array<i32>} : memref<768xi32, #tpu.memory_space<vmem>>, vector<16xi32>,
      %get3A_337 = vector.shape_cast %get3A_336 : vector<16xi32> to vector<16xi32>
      %add3A_338 = arith.constant 80 : i32
      %add3A_339 = vector.broadcast %add3A_338 : i32 to vector<16xi32>
      %add3A_340 = arith.addi %add3A_339, %iota3A : vector<16xi32>
      %ge3A_341 = vector.broadcast %sub3A_191 : i32 to vector<16xi32>
      %ge3A_342 = arith.cmpi sge, %add3A_340, %ge3A_341 : vector<16xi32>
      %lt3A_343 = vector.broadcast %sub3A_195 : i32 to vector<16xi32>
      %lt3A_344 = arith.cmpi slt, %add3A_340, %lt3A_343 : vector<16xi32>
      %and3A_345 = arith.andi %ge3A_342, %lt3A_344 : vector<16xi1>
      %sub3A_346 = vector.broadcast %mul3A_59 : i32 to vector<16xi32>
      %sub3A_347 = arith.subi %get3A_337, %sub3A_346 : vector<16xi32>
      %add3A_348 = arith.constant 2048 : i32
      %add3A_349 = vector.broadcast %add3A_348 : i32 to vector<16xi32>
      %add3A_350 = arith.addi %add3A_349, %iota3A : vector<16xi32>
      %select_n3A_351 = arith.select %and3A_345, %sub3A_347, %add3A_350 : vector<16xi1>, vector<16xi32>
      %swap3A_352 = arith.index_cast %select_n3A_164 : i32 to index
      %swap3A_353 = arith.constant 80 : index
      %swap3A_354 = tpu.vector_load %arg9[%swap3A_352, %swap3A_353] {strides = array<i32>} : memref<6x128xi32, #tpu.memory_space<vmem>>, vector<1x16xi32>,
      %swap3A_355 = vector.shape_cast %swap3A_354 : vector<1x16xi32> to vector<16xi32>
      %swap3A_356 = vector.shape_cast %select_n3A_351 : vector<16xi32> to vector<1x16xi32>
      tpu.vector_store %arg9[%swap3A_352, %swap3A_353], %swap3A_356 {strides = array<i32>} : memref<6x128xi32, #tpu.memory_space<vmem>>, vector<1x16xi32>,
      %mul3A_357 = arith.constant 128 : i32
      %mul3A_358 = arith.muli %select_n3A_164, %mul3A_357 : i32
      %add3A_359 = arith.constant 96 : i32
      %add3A_360 = arith.addi %mul3A_358, %add3A_359 : i32
      %multiple_of3A_361 = tpu.assume_multiple %add3A_360, 16 : i32
      %get3A_362 = arith.index_cast %multiple_of3A_361 : i32 to index
      %get3A_363 = tpu.vector_load %arg7[%get3A_362] {strides = array<i32>} : memref<768xi32, #tpu.memory_space<vmem>>, vector<16xi32>,
      %get3A_364 = vector.shape_cast %get3A_363 : vector<16xi32> to vector<16xi32>
      %add3A_365 = arith.constant 96 : i32
      %add3A_366 = vector.broadcast %add3A_365 : i32 to vector<16xi32>
      %add3A_367 = arith.addi %add3A_366, %iota3A : vector<16xi32>
      %ge3A_368 = vector.broadcast %sub3A_191 : i32 to vector<16xi32>
      %ge3A_369 = arith.cmpi sge, %add3A_367, %ge3A_368 : vector<16xi32>
      %lt3A_370 = vector.broadcast %sub3A_195 : i32 to vector<16xi32>
      %lt3A_371 = arith.cmpi slt, %add3A_367, %lt3A_370 : vector<16xi32>
      %and3A_372 = arith.andi %ge3A_369, %lt3A_371 : vector<16xi1>
      %sub3A_373 = vector.broadcast %mul3A_59 : i32 to vector<16xi32>
      %sub3A_374 = arith.subi %get3A_364, %sub3A_373 : vector<16xi32>
      %add3A_375 = arith.constant 2048 : i32
      %add3A_376 = vector.broadcast %add3A_375 : i32 to vector<16xi32>
      %add3A_377 = arith.addi %add3A_376, %iota3A : vector<16xi32>
      %select_n3A_378 = arith.select %and3A_372, %sub3A_374, %add3A_377 : vector<16xi1>, vector<16xi32>
      %swap3A_379 = arith.index_cast %select_n3A_164 : i32 to index
      %swap3A_380 = arith.constant 96 : index
      %swap3A_381 = tpu.vector_load %arg9[%swap3A_379, %swap3A_380] {strides = array<i32>} : memref<6x128xi32, #tpu.memory_space<vmem>>, vector<1x16xi32>,
      %swap3A_382 = vector.shape_cast %swap3A_381 : vector<1x16xi32> to vector<16xi32>
      %swap3A_383 = vector.shape_cast %select_n3A_378 : vector<16xi32> to vector<1x16xi32>
      tpu.vector_store %arg9[%swap3A_379, %swap3A_380], %swap3A_383 {strides = array<i32>} : memref<6x128xi32, #tpu.memory_space<vmem>>, vector<1x16xi32>,
      %mul3A_384 = arith.constant 128 : i32
      %mul3A_385 = arith.muli %select_n3A_164, %mul3A_384 : i32
      %add3A_386 = arith.constant 112 : i32
      %add3A_387 = arith.addi %mul3A_385, %add3A_386 : i32
      %multiple_of3A_388 = tpu.assume_multiple %add3A_387, 16 : i32
      %get3A_389 = arith.index_cast %multiple_of3A_388 : i32 to index
      %get3A_390 = tpu.vector_load %arg7[%get3A_389] {strides = array<i32>} : memref<768xi32, #tpu.memory_space<vmem>>, vector<16xi32>,
      %get3A_391 = vector.shape_cast %get3A_390 : vector<16xi32> to vector<16xi32>
      %add3A_392 = arith.constant 112 : i32
      %add3A_393 = vector.broadcast %add3A_392 : i32 to vector<16xi32>
      %add3A_394 = arith.addi %add3A_393, %iota3A : vector<16xi32>
      %ge3A_395 = vector.broadcast %sub3A_191 : i32 to vector<16xi32>
      %ge3A_396 = arith.cmpi sge, %add3A_394, %ge3A_395 : vector<16xi32>
      %lt3A_397 = vector.broadcast %sub3A_195 : i32 to vector<16xi32>
      %lt3A_398 = arith.cmpi slt, %add3A_394, %lt3A_397 : vector<16xi32>
      %and3A_399 = arith.andi %ge3A_396, %lt3A_398 : vector<16xi1>
      %sub3A_400 = vector.broadcast %mul3A_59 : i32 to vector<16xi32>
      %sub3A_401 = arith.subi %get3A_391, %sub3A_400 : vector<16xi32>
      %add3A_402 = arith.constant 2048 : i32
      %add3A_403 = vector.broadcast %add3A_402 : i32 to vector<16xi32>
      %add3A_404 = arith.addi %add3A_403, %iota3A : vector<16xi32>
      %select_n3A_405 = arith.select %and3A_399, %sub3A_401, %add3A_404 : vector<16xi1>, vector<16xi32>
      %swap3A_406 = arith.index_cast %select_n3A_164 : i32 to index
      %swap3A_407 = arith.constant 112 : index
      %swap3A_408 = tpu.vector_load %arg9[%swap3A_406, %swap3A_407] {strides = array<i32>} : memref<6x128xi32, #tpu.memory_space<vmem>>, vector<1x16xi32>,
      %swap3A_409 = vector.shape_cast %swap3A_408 : vector<1x16xi32> to vector<16xi32>
      %swap3A_410 = vector.shape_cast %select_n3A_405 : vector<16xi32> to vector<1x16xi32>
      tpu.vector_store %arg9[%swap3A_406, %swap3A_407], %swap3A_410 {strides = array<i32>} : memref<6x128xi32, #tpu.memory_space<vmem>>, vector<1x16xi32>,
      %dma_start3A = arith.constant 0 : i32
      %dma_start3A_411 = arith.constant 0 : i32
      %dma_start3A_412 = tpu.memref_slice %arg8[%select_n3A_164, %dma_start3A, %dma_start3A_411] : memref<6x128x128xf32, #tpu.memory_space<vmem>> -> memref<1x128x128xf32, #tpu.memory_space<vmem>>
      %dma_start3A_413 = tpu.memref_squeeze %dma_start3A_412 : memref<1x128x128xf32, #tpu.memory_space<vmem>> -> memref<128x128xf32, #tpu.memory_space<vmem>>
      %dma_start3A_414 = arith.constant 0 : i32
      %dma_start3A_415 = tpu.memref_slice %arg9[%select_n3A_164, %dma_start3A_414] : memref<6x128xi32, #tpu.memory_space<vmem>> -> memref<1x128xi32, #tpu.memory_space<vmem>>
      %dma_start3A_416 = tpu.memref_squeeze %dma_start3A_415 : memref<1x128xi32, #tpu.memory_space<vmem>> -> memref<128xi32, #tpu.memory_space<vmem>>
      %dma_start3A_417 = arith.constant 0 : i32
      %dma_start3A_418 = arith.constant 0 : i32
      %dma_start3A_419 = tpu.memref_slice %arg10[%dma_start3A_417, %dma_start3A_418] : memref<2176x128xf32, #tpu.memory_space<vmem_shared>> -> memref<2176x128xf32, #tpu.memory_space<vmem_shared>>
      %dma_start3A_420 = tpu.memref_slice %arg12[%select_n3A_164] : memref<6x!tpu.dma_semaphore, #tpu.memory_space<semaphore_mem>> -> memref<1x!tpu.dma_semaphore, #tpu.memory_space<semaphore_mem>>
      %dma_start3A_421 = tpu.memref_squeeze %dma_start3A_420 : memref<1x!tpu.dma_semaphore, #tpu.memory_space<semaphore_mem>> -> memref<!tpu.dma_semaphore, #tpu.memory_space<semaphore_mem>>
      tpu.enqueue_indirect_dma source(%dma_start3A_413 : memref<128x128xf32, #tpu.memory_space<vmem>>) target(%dma_start3A_419 : memref<2176x128xf32, #tpu.memory_space<vmem_shared>>) offsets(%dma_start3A_416 : memref<128xi32, #tpu.memory_space<vmem>>) semaphore(%dma_start3A_421 : memref<!tpu.dma_semaphore, #tpu.memory_space<semaphore_mem>>) {add = true}
    }
    %while3A_121 = arith.constant 1 : i32
    scf.for %while3A_139 = %while3A_119 to %while3A_115 step %while3A_121  : i32 {
      %ge3A_140 = arith.constant 2 : i32
      %ge3A_141 = arith.cmpi sge, %while3A_139, %ge3A_140 : i32
      %convert_element_type3A_142 = arith.extui %ge3A_141 : i1 to i32
      %cond3A_143 = arith.constant 0 : i32
      %cond3A_144 = arith.cmpi ne, %convert_element_type3A_142, %cond3A_143 : i32
      scf.if %cond3A_144 {
        %sub3A_422 = arith.constant 2 : i32
        %sub3A_423 = arith.subi %while3A_139, %sub3A_422 : i32
        %jit3A_424 = arith.constant 6 : i32
        %eq3A_425 = arith.constant 0 : i32
        %eq3A_426 = arith.cmpi eq, %jit3A_424, %eq3A_425 : i32
        %jit3A_427 = arith.constant 1 : i32
        %select_n3A_428 = arith.select %eq3A_426, %jit3A_427, %jit3A_424 : i32
        %rem3A_429 = arith.remsi %sub3A_423, %select_n3A_428 : i32
        %ne3A_430 = arith.constant 0 : i32
        %ne3A_431 = arith.cmpi ne, %rem3A_429, %ne3A_430 : i32
        %lt3A_432 = arith.constant 0 : i32
        %lt3A_433 = arith.cmpi slt, %rem3A_429, %lt3A_432 : i32
        %lt3A_434 = arith.constant 0 : i32
        %lt3A_435 = arith.cmpi slt, %select_n3A_428, %lt3A_434 : i32
        %ne3A_436 = arith.xori %lt3A_433, %lt3A_435 : i1
        %and3A_437 = arith.andi %ne3A_436, %ne3A_431 : i1
        %add3A_438 = arith.addi %rem3A_429, %select_n3A_428 : i32
        %select_n3A_439 = arith.select %and3A_437, %add3A_438, %rem3A_429 : i32
        %dma_wait3A_440 = arith.constant 0 : i32
        %dma_wait3A_441 = arith.constant 0 : i32
        %dma_wait3A_442 = tpu.memref_slice %arg8[%select_n3A_439, %dma_wait3A_440, %dma_wait3A_441] : memref<6x128x128xf32, #tpu.memory_space<vmem>> -> memref<1x128x128xf32, #tpu.memory_space<vmem>>
        %dma_wait3A_443 = tpu.memref_squeeze %dma_wait3A_442 : memref<1x128x128xf32, #tpu.memory_space<vmem>> -> memref<128x128xf32, #tpu.memory_space<vmem>>
        %dma_wait3A_444 = arith.constant 0 : i32
        %dma_wait3A_445 = tpu.memref_slice %arg9[%select_n3A_439, %dma_wait3A_444] : memref<6x128xi32, #tpu.memory_space<vmem>> -> memref<1x128xi32, #tpu.memory_space<vmem>>
        %dma_wait3A_446 = tpu.memref_squeeze %dma_wait3A_445 : memref<1x128xi32, #tpu.memory_space<vmem>> -> memref<128xi32, #tpu.memory_space<vmem>>
        %dma_wait3A_447 = arith.constant 0 : i32
        %dma_wait3A_448 = arith.constant 0 : i32
        %dma_wait3A_449 = tpu.memref_slice %arg10[%dma_wait3A_447, %dma_wait3A_448] : memref<2176x128xf32, #tpu.memory_space<vmem_shared>> -> memref<2176x128xf32, #tpu.memory_space<vmem_shared>>
        %dma_wait3A_450 = tpu.memref_slice %arg12[%select_n3A_439] : memref<6x!tpu.dma_semaphore, #tpu.memory_space<semaphore_mem>> -> memref<1x!tpu.dma_semaphore, #tpu.memory_space<semaphore_mem>>
        %dma_wait3A_451 = tpu.memref_squeeze %dma_wait3A_450 : memref<1x!tpu.dma_semaphore, #tpu.memory_space<semaphore_mem>> -> memref<!tpu.dma_semaphore, #tpu.memory_space<semaphore_mem>>
        tpu.wait_indirect_dma semaphore(%dma_wait3A_451 : memref<!tpu.dma_semaphore, #tpu.memory_space<semaphore_mem>>) src(%dma_wait3A_443 : memref<128x128xf32, #tpu.memory_space<vmem>>) dst(%dma_wait3A_449 : memref<2176x128xf32, #tpu.memory_space<vmem_shared>>)
      } else {
      }
      %add3A_145 = arith.constant 4 : i32
      %add3A_146 = arith.addi %while3A_139, %add3A_145 : i32
      %lt3A = arith.cmpi slt, %add3A_146, %select_n3A_91 : i32
      %convert_element_type3A_147 = arith.extui %lt3A : i1 to i32
      %cond3A_148 = arith.constant 0 : i32
      %cond3A_149 = arith.cmpi ne, %convert_element_type3A_147, %cond3A_148 : i32
      scf.if %cond3A_149 {
        %add3A_422 = arith.constant 4 : i32
        %add3A_423 = arith.addi %while3A_139, %add3A_422 : i32
        %jit3A_424 = arith.constant 6 : i32
        %eq3A_425 = arith.constant 0 : i32
        %eq3A_426 = arith.cmpi eq, %jit3A_424, %eq3A_425 : i32
        %jit3A_427 = arith.constant 1 : i32
        %select_n3A_428 = arith.select %eq3A_426, %jit3A_427, %jit3A_424 : i32
        %rem3A_429 = arith.remsi %add3A_423, %select_n3A_428 : i32
        %ne3A_430 = arith.constant 0 : i32
        %ne3A_431 = arith.cmpi ne, %rem3A_429, %ne3A_430 : i32
        %lt3A_432 = arith.constant 0 : i32
        %lt3A_433 = arith.cmpi slt, %rem3A_429, %lt3A_432 : i32
        %lt3A_434 = arith.constant 0 : i32
        %lt3A_435 = arith.cmpi slt, %select_n3A_428, %lt3A_434 : i32
        %ne3A_436 = arith.xori %lt3A_433, %lt3A_435 : i1
        %and3A_437 = arith.andi %ne3A_436, %ne3A_431 : i1
        %add3A_438 = arith.addi %rem3A_429, %select_n3A_428 : i32
        %select_n3A_439 = arith.select %and3A_437, %add3A_438, %rem3A_429 : i32
        %mul3A_440 = arith.constant 128 : i32
        %mul3A_441 = arith.muli %add3A_423, %mul3A_440 : i32
        %add3A_442 = arith.addi %and3A_62, %mul3A_441 : i32
        %min3A_443 = arith.constant 99872 : i32
        %min3A_444 = arith.minsi %add3A_442, %min3A_443 : i32
        %multiple_of3A_445 = tpu.assume_multiple %min3A_444, 8 : i32
        %mul3A_446 = arith.constant 128 : i32
        %mul3A_447 = arith.muli %select_n3A_439, %mul3A_446 : i32
        %multiple_of3A_448 = tpu.assume_multiple %mul3A_447, 128 : i32
        %dma_start3A_449 = tpu.memref_slice %arg7[%multiple_of3A_448] : memref<768xi32, #tpu.memory_space<vmem>> -> memref<128xi32, #tpu.memory_space<vmem>>
        %dma_start3A_450 = tpu.memref_slice %arg3[%multiple_of3A_445] : memref<100000xi32, #tpu.memory_space<hbm>> -> memref<128xi32, #tpu.memory_space<hbm>>
        %dma_start3A_451 = tpu.memref_slice %arg11[%select_n3A_439] : memref<6x!tpu.dma_semaphore, #tpu.memory_space<semaphore_mem>> -> memref<1x!tpu.dma_semaphore, #tpu.memory_space<semaphore_mem>>
        %dma_start3A_452 = tpu.memref_squeeze %dma_start3A_451 : memref<1x!tpu.dma_semaphore, #tpu.memory_space<semaphore_mem>> -> memref<!tpu.dma_semaphore, #tpu.memory_space<semaphore_mem>>
        %dma_start3A_453 = tpu.memref_slice %arg7[%multiple_of3A_448] : memref<768xi32, #tpu.memory_space<vmem>> -> memref<128xi32, #tpu.memory_space<vmem>>
        %dma_start3A_454 = tpu.memref_slice %arg3[%multiple_of3A_445] : memref<100000xi32, #tpu.memory_space<hbm>> -> memref<128xi32, #tpu.memory_space<hbm>>
        tpu.enqueue_dma source(%dma_start3A_454 : memref<128xi32, #tpu.memory_space<hbm>>) target(%dma_start3A_453 : memref<128xi32, #tpu.memory_space<vmem>>) target_semaphore(%dma_start3A_452 : memref<!tpu.dma_semaphore, #tpu.memory_space<semaphore_mem>>)
        %dma_start3A_455 = arith.constant 0 : i32
        %dma_start3A_456 = arith.constant 0 : i32
        %dma_start3A_457 = tpu.memref_slice %arg8[%select_n3A_439, %dma_start3A_455, %dma_start3A_456] : memref<6x128x128xf32, #tpu.memory_space<vmem>> -> memref<1x128x128xf32, #tpu.memory_space<vmem>>
        %dma_start3A_458 = tpu.memref_squeeze %dma_start3A_457 : memref<1x128x128xf32, #tpu.memory_space<vmem>> -> memref<128x128xf32, #tpu.memory_space<vmem>>
        %dma_start3A_459 = arith.constant 0 : i32
        %dma_start3A_460 = tpu.memref_slice %arg2[%multiple_of3A_445, %dma_start3A_459] : memref<100000x128xf32, #tpu.memory_space<hbm>> -> memref<128x128xf32, #tpu.memory_space<hbm>>
        %dma_start3A_461 = tpu.memref_slice %arg11[%select_n3A_439] : memref<6x!tpu.dma_semaphore, #tpu.memory_space<semaphore_mem>> -> memref<1x!tpu.dma_semaphore, #tpu.memory_space<semaphore_mem>>
        %dma_start3A_462 = tpu.memref_squeeze %dma_start3A_461 : memref<1x!tpu.dma_semaphore, #tpu.memory_space<semaphore_mem>> -> memref<!tpu.dma_semaphore, #tpu.memory_space<semaphore_mem>>
        %dma_start3A_463 = arith.constant 0 : i32
        %dma_start3A_464 = arith.constant 0 : i32
        %dma_start3A_465 = tpu.memref_slice %arg8[%select_n3A_439, %dma_start3A_463, %dma_start3A_464] : memref<6x128x128xf32, #tpu.memory_space<vmem>> -> memref<1x128x128xf32, #tpu.memory_space<vmem>>
        %dma_start3A_466 = tpu.memref_squeeze %dma_start3A_465 : memref<1x128x128xf32, #tpu.memory_space<vmem>> -> memref<128x128xf32, #tpu.memory_space<vmem>>
        %dma_start3A_467 = arith.constant 0 : i32
        %dma_start3A_468 = tpu.memref_slice %arg2[%multiple_of3A_445, %dma_start3A_467] : memref<100000x128xf32, #tpu.memory_space<hbm>> -> memref<128x128xf32, #tpu.memory_space<hbm>>
        tpu.enqueue_dma source(%dma_start3A_468 : memref<128x128xf32, #tpu.memory_space<hbm>>) target(%dma_start3A_466 : memref<128x128xf32, #tpu.memory_space<vmem>>) target_semaphore(%dma_start3A_462 : memref<!tpu.dma_semaphore, #tpu.memory_space<semaphore_mem>>)
      } else {
      }
      %jit3A_150 = arith.constant 6 : i32
      %eq3A = arith.constant 0 : i32
      %eq3A_151 = arith.cmpi eq, %jit3A_150, %eq3A : i32
      %jit3A_152 = arith.constant 1 : i32
      %select_n3A_153 = arith.select %eq3A_151, %jit3A_152, %jit3A_150 : i32
      %rem3A_154 = arith.remsi %while3A_139, %select_n3A_153 : i32
      %ne3A_155 = arith.constant 0 : i32
      %ne3A_156 = arith.cmpi ne, %rem3A_154, %ne3A_155 : i32
      %lt3A_157 = arith.constant 0 : i32
      %lt3A_158 = arith.cmpi slt, %rem3A_154, %lt3A_157 : i32
      %lt3A_159 = arith.constant 0 : i32
      %lt3A_160 = arith.cmpi slt, %select_n3A_153, %lt3A_159 : i32
      %ne3A_161 = arith.xori %lt3A_158, %lt3A_160 : i1
      %and3A_162 = arith.andi %ne3A_161, %ne3A_156 : i1
      %add3A_163 = arith.addi %rem3A_154, %select_n3A_153 : i32
      %select_n3A_164 = arith.select %and3A_162, %add3A_163, %rem3A_154 : i32
      %mul3A_165 = arith.constant 128 : i32
      %mul3A_166 = arith.muli %while3A_139, %mul3A_165 : i32
      %add3A_167 = arith.addi %and3A_62, %mul3A_166 : i32
      %min3A = arith.constant 99872 : i32
      %min3A_168 = arith.minsi %add3A_167, %min3A : i32
      %multiple_of3A = tpu.assume_multiple %min3A_168, 8 : i32
      %mul3A_169 = arith.constant 128 : i32
      %mul3A_170 = arith.muli %select_n3A_164, %mul3A_169 : i32
      %multiple_of3A_171 = tpu.assume_multiple %mul3A_170, 128 : i32
      %dma_wait3A = tpu.memref_slice %arg7[%multiple_of3A_171] : memref<768xi32, #tpu.memory_space<vmem>> -> memref<128xi32, #tpu.memory_space<vmem>>
      %dma_wait3A_172 = tpu.memref_slice %arg3[%multiple_of3A] : memref<100000xi32, #tpu.memory_space<hbm>> -> memref<128xi32, #tpu.memory_space<hbm>>
      %dma_wait3A_173 = tpu.memref_slice %arg11[%select_n3A_164] : memref<6x!tpu.dma_semaphore, #tpu.memory_space<semaphore_mem>> -> memref<1x!tpu.dma_semaphore, #tpu.memory_space<semaphore_mem>>
      %dma_wait3A_174 = tpu.memref_squeeze %dma_wait3A_173 : memref<1x!tpu.dma_semaphore, #tpu.memory_space<semaphore_mem>> -> memref<!tpu.dma_semaphore, #tpu.memory_space<semaphore_mem>>
      %dma_wait3A_175 = tpu.memref_slice %arg7[%multiple_of3A_171] : memref<768xi32, #tpu.memory_space<vmem>> -> memref<128xi32, #tpu.memory_space<vmem>>
      %dma_wait3A_176 = tpu.memref_slice %arg3[%multiple_of3A] : memref<100000xi32, #tpu.memory_space<hbm>> -> memref<128xi32, #tpu.memory_space<hbm>>
      tpu.wait_dma2 semaphore(%dma_wait3A_174 : memref<!tpu.dma_semaphore, #tpu.memory_space<semaphore_mem>>) src(%dma_wait3A_176 : memref<128xi32, #tpu.memory_space<hbm>>) dst(%dma_wait3A_175 : memref<128xi32, #tpu.memory_space<vmem>>)
      %dma_wait3A_177 = arith.constant 0 : i32
      %dma_wait3A_178 = arith.constant 0 : i32
      %dma_wait3A_179 = tpu.memref_slice %arg8[%select_n3A_164, %dma_wait3A_177, %dma_wait3A_178] : memref<6x128x128xf32, #tpu.memory_space<vmem>> -> memref<1x128x128xf32, #tpu.memory_space<vmem>>
      %dma_wait3A_180 = tpu.memref_squeeze %dma_wait3A_179 : memref<1x128x128xf32, #tpu.memory_space<vmem>> -> memref<128x128xf32, #tpu.memory_space<vmem>>
      %dma_wait3A_181 = arith.constant 0 : i32
      %dma_wait3A_182 = tpu.memref_slice %arg2[%multiple_of3A, %dma_wait3A_181] : memref<100000x128xf32, #tpu.memory_space<hbm>> -> memref<128x128xf32, #tpu.memory_space<hbm>>
      %dma_wait3A_183 = tpu.memref_slice %arg11[%select_n3A_164] : memref<6x!tpu.dma_semaphore, #tpu.memory_space<semaphore_mem>> -> memref<1x!tpu.dma_semaphore, #tpu.memory_space<semaphore_mem>>
      %dma_wait3A_184 = tpu.memref_squeeze %dma_wait3A_183 : memref<1x!tpu.dma_semaphore, #tpu.memory_space<semaphore_mem>> -> memref<!tpu.dma_semaphore, #tpu.memory_space<semaphore_mem>>
      %dma_wait3A_185 = arith.constant 0 : i32
      %dma_wait3A_186 = arith.constant 0 : i32
      %dma_wait3A_187 = tpu.memref_slice %arg8[%select_n3A_164, %dma_wait3A_185, %dma_wait3A_186] : memref<6x128x128xf32, #tpu.memory_space<vmem>> -> memref<1x128x128xf32, #tpu.memory_space<vmem>>
      %dma_wait3A_188 = tpu.memref_squeeze %dma_wait3A_187 : memref<1x128x128xf32, #tpu.memory_space<vmem>> -> memref<128x128xf32, #tpu.memory_space<vmem>>
      %dma_wait3A_189 = arith.constant 0 : i32
      %dma_wait3A_190 = tpu.memref_slice %arg2[%multiple_of3A, %dma_wait3A_189] : memref<100000x128xf32, #tpu.memory_space<hbm>> -> memref<128x128xf32, #tpu.memory_space<hbm>>
      tpu.wait_dma2 semaphore(%dma_wait3A_184 : memref<!tpu.dma_semaphore, #tpu.memory_space<semaphore_mem>>) src(%dma_wait3A_190 : memref<128x128xf32, #tpu.memory_space<hbm>>) dst(%dma_wait3A_188 : memref<128x128xf32, #tpu.memory_space<vmem>>)
      %max3A = arith.maxsi %add3A_29, %add3A_167 : i32
      %sub3A_191 = arith.subi %max3A, %multiple_of3A : i32
      %add3A_192 = arith.constant 128 : i32
      %add3A_193 = arith.addi %add3A_167, %add3A_192 : i32
      %min3A_194 = arith.minsi %add3A_57, %add3A_193 : i32
      %sub3A_195 = arith.subi %min3A_194, %multiple_of3A : i32
      %mul3A_196 = arith.constant 128 : i32
      %mul3A_197 = arith.muli %select_n3A_164, %mul3A_196 : i32
      %add3A_198 = arith.constant 0 : i32
      %add3A_199 = arith.addi %mul3A_197, %add3A_198 : i32
      %multiple_of3A_200 = tpu.assume_multiple %add3A_199, 16 : i32
      %get3A_201 = arith.index_cast %multiple_of3A_200 : i32 to index
      %get3A_202 = tpu.vector_load %arg7[%get3A_201] {strides = array<i32>} : memref<768xi32, #tpu.memory_space<vmem>>, vector<16xi32>,
      %get3A_203 = vector.shape_cast %get3A_202 : vector<16xi32> to vector<16xi32>
      %add3A_204 = arith.constant 0 : i32
      %add3A_205 = vector.broadcast %add3A_204 : i32 to vector<16xi32>
      %add3A_206 = arith.addi %add3A_205, %iota3A : vector<16xi32>
      %ge3A_207 = vector.broadcast %sub3A_191 : i32 to vector<16xi32>
      %ge3A_208 = arith.cmpi sge, %add3A_206, %ge3A_207 : vector<16xi32>
      %lt3A_209 = vector.broadcast %sub3A_195 : i32 to vector<16xi32>
      %lt3A_210 = arith.cmpi slt, %add3A_206, %lt3A_209 : vector<16xi32>
      %and3A_211 = arith.andi %ge3A_208, %lt3A_210 : vector<16xi1>
      %sub3A_212 = vector.broadcast %mul3A_59 : i32 to vector<16xi32>
      %sub3A_213 = arith.subi %get3A_203, %sub3A_212 : vector<16xi32>
      %add3A_214 = arith.constant 2048 : i32
      %add3A_215 = vector.broadcast %add3A_214 : i32 to vector<16xi32>
      %add3A_216 = arith.addi %add3A_215, %iota3A : vector<16xi32>
      %select_n3A_217 = arith.select %and3A_211, %sub3A_213, %add3A_216 : vector<16xi1>, vector<16xi32>
      %swap3A = arith.index_cast %select_n3A_164 : i32 to index
      %swap3A_218 = arith.constant 0 : index
      %swap3A_219 = tpu.vector_load %arg9[%swap3A, %swap3A_218] {strides = array<i32>} : memref<6x128xi32, #tpu.memory_space<vmem>>, vector<1x16xi32>,
      %swap3A_220 = vector.shape_cast %swap3A_219 : vector<1x16xi32> to vector<16xi32>
      %swap3A_221 = vector.shape_cast %select_n3A_217 : vector<16xi32> to vector<1x16xi32>
      tpu.vector_store %arg9[%swap3A, %swap3A_218], %swap3A_221 {strides = array<i32>} : memref<6x128xi32, #tpu.memory_space<vmem>>, vector<1x16xi32>,
      %mul3A_222 = arith.constant 128 : i32
      %mul3A_223 = arith.muli %select_n3A_164, %mul3A_222 : i32
      %add3A_224 = arith.constant 16 : i32
      %add3A_225 = arith.addi %mul3A_223, %add3A_224 : i32
      %multiple_of3A_226 = tpu.assume_multiple %add3A_225, 16 : i32
      %get3A_227 = arith.index_cast %multiple_of3A_226 : i32 to index
      %get3A_228 = tpu.vector_load %arg7[%get3A_227] {strides = array<i32>} : memref<768xi32, #tpu.memory_space<vmem>>, vector<16xi32>,
      %get3A_229 = vector.shape_cast %get3A_228 : vector<16xi32> to vector<16xi32>
      %add3A_230 = arith.constant 16 : i32
      %add3A_231 = vector.broadcast %add3A_230 : i32 to vector<16xi32>
      %add3A_232 = arith.addi %add3A_231, %iota3A : vector<16xi32>
      %ge3A_233 = vector.broadcast %sub3A_191 : i32 to vector<16xi32>
      %ge3A_234 = arith.cmpi sge, %add3A_232, %ge3A_233 : vector<16xi32>
      %lt3A_235 = vector.broadcast %sub3A_195 : i32 to vector<16xi32>
      %lt3A_236 = arith.cmpi slt, %add3A_232, %lt3A_235 : vector<16xi32>
      %and3A_237 = arith.andi %ge3A_234, %lt3A_236 : vector<16xi1>
      %sub3A_238 = vector.broadcast %mul3A_59 : i32 to vector<16xi32>
      %sub3A_239 = arith.subi %get3A_229, %sub3A_238 : vector<16xi32>
      %add3A_240 = arith.constant 2048 : i32
      %add3A_241 = vector.broadcast %add3A_240 : i32 to vector<16xi32>
      %add3A_242 = arith.addi %add3A_241, %iota3A : vector<16xi32>
      %select_n3A_243 = arith.select %and3A_237, %sub3A_239, %add3A_242 : vector<16xi1>, vector<16xi32>
      %swap3A_244 = arith.index_cast %select_n3A_164 : i32 to index
      %swap3A_245 = arith.constant 16 : index
      %swap3A_246 = tpu.vector_load %arg9[%swap3A_244, %swap3A_245] {strides = array<i32>} : memref<6x128xi32, #tpu.memory_space<vmem>>, vector<1x16xi32>,
      %swap3A_247 = vector.shape_cast %swap3A_246 : vector<1x16xi32> to vector<16xi32>
      %swap3A_248 = vector.shape_cast %select_n3A_243 : vector<16xi32> to vector<1x16xi32>
      tpu.vector_store %arg9[%swap3A_244, %swap3A_245], %swap3A_248 {strides = array<i32>} : memref<6x128xi32, #tpu.memory_space<vmem>>, vector<1x16xi32>,
      %mul3A_249 = arith.constant 128 : i32
      %mul3A_250 = arith.muli %select_n3A_164, %mul3A_249 : i32
      %add3A_251 = arith.constant 32 : i32
      %add3A_252 = arith.addi %mul3A_250, %add3A_251 : i32
      %multiple_of3A_253 = tpu.assume_multiple %add3A_252, 16 : i32
      %get3A_254 = arith.index_cast %multiple_of3A_253 : i32 to index
      %get3A_255 = tpu.vector_load %arg7[%get3A_254] {strides = array<i32>} : memref<768xi32, #tpu.memory_space<vmem>>, vector<16xi32>,
      %get3A_256 = vector.shape_cast %get3A_255 : vector<16xi32> to vector<16xi32>
      %add3A_257 = arith.constant 32 : i32
      %add3A_258 = vector.broadcast %add3A_257 : i32 to vector<16xi32>
      %add3A_259 = arith.addi %add3A_258, %iota3A : vector<16xi32>
      %ge3A_260 = vector.broadcast %sub3A_191 : i32 to vector<16xi32>
      %ge3A_261 = arith.cmpi sge, %add3A_259, %ge3A_260 : vector<16xi32>
      %lt3A_262 = vector.broadcast %sub3A_195 : i32 to vector<16xi32>
      %lt3A_263 = arith.cmpi slt, %add3A_259, %lt3A_262 : vector<16xi32>
      %and3A_264 = arith.andi %ge3A_261, %lt3A_263 : vector<16xi1>
      %sub3A_265 = vector.broadcast %mul3A_59 : i32 to vector<16xi32>
      %sub3A_266 = arith.subi %get3A_256, %sub3A_265 : vector<16xi32>
      %add3A_267 = arith.constant 2048 : i32
      %add3A_268 = vector.broadcast %add3A_267 : i32 to vector<16xi32>
      %add3A_269 = arith.addi %add3A_268, %iota3A : vector<16xi32>
      %select_n3A_270 = arith.select %and3A_264, %sub3A_266, %add3A_269 : vector<16xi1>, vector<16xi32>
      %swap3A_271 = arith.index_cast %select_n3A_164 : i32 to index
      %swap3A_272 = arith.constant 32 : index
      %swap3A_273 = tpu.vector_load %arg9[%swap3A_271, %swap3A_272] {strides = array<i32>} : memref<6x128xi32, #tpu.memory_space<vmem>>, vector<1x16xi32>,
      %swap3A_274 = vector.shape_cast %swap3A_273 : vector<1x16xi32> to vector<16xi32>
      %swap3A_275 = vector.shape_cast %select_n3A_270 : vector<16xi32> to vector<1x16xi32>
      tpu.vector_store %arg9[%swap3A_271, %swap3A_272], %swap3A_275 {strides = array<i32>} : memref<6x128xi32, #tpu.memory_space<vmem>>, vector<1x16xi32>,
      %mul3A_276 = arith.constant 128 : i32
      %mul3A_277 = arith.muli %select_n3A_164, %mul3A_276 : i32
      %add3A_278 = arith.constant 48 : i32
      %add3A_279 = arith.addi %mul3A_277, %add3A_278 : i32
      %multiple_of3A_280 = tpu.assume_multiple %add3A_279, 16 : i32
      %get3A_281 = arith.index_cast %multiple_of3A_280 : i32 to index
      %get3A_282 = tpu.vector_load %arg7[%get3A_281] {strides = array<i32>} : memref<768xi32, #tpu.memory_space<vmem>>, vector<16xi32>,
      %get3A_283 = vector.shape_cast %get3A_282 : vector<16xi32> to vector<16xi32>
      %add3A_284 = arith.constant 48 : i32
      %add3A_285 = vector.broadcast %add3A_284 : i32 to vector<16xi32>
      %add3A_286 = arith.addi %add3A_285, %iota3A : vector<16xi32>
      %ge3A_287 = vector.broadcast %sub3A_191 : i32 to vector<16xi32>
      %ge3A_288 = arith.cmpi sge, %add3A_286, %ge3A_287 : vector<16xi32>
      %lt3A_289 = vector.broadcast %sub3A_195 : i32 to vector<16xi32>
      %lt3A_290 = arith.cmpi slt, %add3A_286, %lt3A_289 : vector<16xi32>
      %and3A_291 = arith.andi %ge3A_288, %lt3A_290 : vector<16xi1>
      %sub3A_292 = vector.broadcast %mul3A_59 : i32 to vector<16xi32>
      %sub3A_293 = arith.subi %get3A_283, %sub3A_292 : vector<16xi32>
      %add3A_294 = arith.constant 2048 : i32
      %add3A_295 = vector.broadcast %add3A_294 : i32 to vector<16xi32>
      %add3A_296 = arith.addi %add3A_295, %iota3A : vector<16xi32>
      %select_n3A_297 = arith.select %and3A_291, %sub3A_293, %add3A_296 : vector<16xi1>, vector<16xi32>
      %swap3A_298 = arith.index_cast %select_n3A_164 : i32 to index
      %swap3A_299 = arith.constant 48 : index
      %swap3A_300 = tpu.vector_load %arg9[%swap3A_298, %swap3A_299] {strides = array<i32>} : memref<6x128xi32, #tpu.memory_space<vmem>>, vector<1x16xi32>,
      %swap3A_301 = vector.shape_cast %swap3A_300 : vector<1x16xi32> to vector<16xi32>
      %swap3A_302 = vector.shape_cast %select_n3A_297 : vector<16xi32> to vector<1x16xi32>
      tpu.vector_store %arg9[%swap3A_298, %swap3A_299], %swap3A_302 {strides = array<i32>} : memref<6x128xi32, #tpu.memory_space<vmem>>, vector<1x16xi32>,
      %mul3A_303 = arith.constant 128 : i32
      %mul3A_304 = arith.muli %select_n3A_164, %mul3A_303 : i32
      %add3A_305 = arith.constant 64 : i32
      %add3A_306 = arith.addi %mul3A_304, %add3A_305 : i32
      %multiple_of3A_307 = tpu.assume_multiple %add3A_306, 16 : i32
      %get3A_308 = arith.index_cast %multiple_of3A_307 : i32 to index
      %get3A_309 = tpu.vector_load %arg7[%get3A_308] {strides = array<i32>} : memref<768xi32, #tpu.memory_space<vmem>>, vector<16xi32>,
      %get3A_310 = vector.shape_cast %get3A_309 : vector<16xi32> to vector<16xi32>
      %add3A_311 = arith.constant 64 : i32
      %add3A_312 = vector.broadcast %add3A_311 : i32 to vector<16xi32>
      %add3A_313 = arith.addi %add3A_312, %iota3A : vector<16xi32>
      %ge3A_314 = vector.broadcast %sub3A_191 : i32 to vector<16xi32>
      %ge3A_315 = arith.cmpi sge, %add3A_313, %ge3A_314 : vector<16xi32>
      %lt3A_316 = vector.broadcast %sub3A_195 : i32 to vector<16xi32>
      %lt3A_317 = arith.cmpi slt, %add3A_313, %lt3A_316 : vector<16xi32>
      %and3A_318 = arith.andi %ge3A_315, %lt3A_317 : vector<16xi1>
      %sub3A_319 = vector.broadcast %mul3A_59 : i32 to vector<16xi32>
      %sub3A_320 = arith.subi %get3A_310, %sub3A_319 : vector<16xi32>
      %add3A_321 = arith.constant 2048 : i32
      %add3A_322 = vector.broadcast %add3A_321 : i32 to vector<16xi32>
      %add3A_323 = arith.addi %add3A_322, %iota3A : vector<16xi32>
      %select_n3A_324 = arith.select %and3A_318, %sub3A_320, %add3A_323 : vector<16xi1>, vector<16xi32>
      %swap3A_325 = arith.index_cast %select_n3A_164 : i32 to index
      %swap3A_326 = arith.constant 64 : index
      %swap3A_327 = tpu.vector_load %arg9[%swap3A_325, %swap3A_326] {strides = array<i32>} : memref<6x128xi32, #tpu.memory_space<vmem>>, vector<1x16xi32>,
      %swap3A_328 = vector.shape_cast %swap3A_327 : vector<1x16xi32> to vector<16xi32>
      %swap3A_329 = vector.shape_cast %select_n3A_324 : vector<16xi32> to vector<1x16xi32>
      tpu.vector_store %arg9[%swap3A_325, %swap3A_326], %swap3A_329 {strides = array<i32>} : memref<6x128xi32, #tpu.memory_space<vmem>>, vector<1x16xi32>,
      %mul3A_330 = arith.constant 128 : i32
      %mul3A_331 = arith.muli %select_n3A_164, %mul3A_330 : i32
      %add3A_332 = arith.constant 80 : i32
      %add3A_333 = arith.addi %mul3A_331, %add3A_332 : i32
      %multiple_of3A_334 = tpu.assume_multiple %add3A_333, 16 : i32
      %get3A_335 = arith.index_cast %multiple_of3A_334 : i32 to index
      %get3A_336 = tpu.vector_load %arg7[%get3A_335] {strides = array<i32>} : memref<768xi32, #tpu.memory_space<vmem>>, vector<16xi32>,
      %get3A_337 = vector.shape_cast %get3A_336 : vector<16xi32> to vector<16xi32>
      %add3A_338 = arith.constant 80 : i32
      %add3A_339 = vector.broadcast %add3A_338 : i32 to vector<16xi32>
      %add3A_340 = arith.addi %add3A_339, %iota3A : vector<16xi32>
      %ge3A_341 = vector.broadcast %sub3A_191 : i32 to vector<16xi32>
      %ge3A_342 = arith.cmpi sge, %add3A_340, %ge3A_341 : vector<16xi32>
      %lt3A_343 = vector.broadcast %sub3A_195 : i32 to vector<16xi32>
      %lt3A_344 = arith.cmpi slt, %add3A_340, %lt3A_343 : vector<16xi32>
      %and3A_345 = arith.andi %ge3A_342, %lt3A_344 : vector<16xi1>
      %sub3A_346 = vector.broadcast %mul3A_59 : i32 to vector<16xi32>
      %sub3A_347 = arith.subi %get3A_337, %sub3A_346 : vector<16xi32>
      %add3A_348 = arith.constant 2048 : i32
      %add3A_349 = vector.broadcast %add3A_348 : i32 to vector<16xi32>
      %add3A_350 = arith.addi %add3A_349, %iota3A : vector<16xi32>
      %select_n3A_351 = arith.select %and3A_345, %sub3A_347, %add3A_350 : vector<16xi1>, vector<16xi32>
      %swap3A_352 = arith.index_cast %select_n3A_164 : i32 to index
      %swap3A_353 = arith.constant 80 : index
      %swap3A_354 = tpu.vector_load %arg9[%swap3A_352, %swap3A_353] {strides = array<i32>} : memref<6x128xi32, #tpu.memory_space<vmem>>, vector<1x16xi32>,
      %swap3A_355 = vector.shape_cast %swap3A_354 : vector<1x16xi32> to vector<16xi32>
      %swap3A_356 = vector.shape_cast %select_n3A_351 : vector<16xi32> to vector<1x16xi32>
      tpu.vector_store %arg9[%swap3A_352, %swap3A_353], %swap3A_356 {strides = array<i32>} : memref<6x128xi32, #tpu.memory_space<vmem>>, vector<1x16xi32>,
      %mul3A_357 = arith.constant 128 : i32
      %mul3A_358 = arith.muli %select_n3A_164, %mul3A_357 : i32
      %add3A_359 = arith.constant 96 : i32
      %add3A_360 = arith.addi %mul3A_358, %add3A_359 : i32
      %multiple_of3A_361 = tpu.assume_multiple %add3A_360, 16 : i32
      %get3A_362 = arith.index_cast %multiple_of3A_361 : i32 to index
      %get3A_363 = tpu.vector_load %arg7[%get3A_362] {strides = array<i32>} : memref<768xi32, #tpu.memory_space<vmem>>, vector<16xi32>,
      %get3A_364 = vector.shape_cast %get3A_363 : vector<16xi32> to vector<16xi32>
      %add3A_365 = arith.constant 96 : i32
      %add3A_366 = vector.broadcast %add3A_365 : i32 to vector<16xi32>
      %add3A_367 = arith.addi %add3A_366, %iota3A : vector<16xi32>
      %ge3A_368 = vector.broadcast %sub3A_191 : i32 to vector<16xi32>
      %ge3A_369 = arith.cmpi sge, %add3A_367, %ge3A_368 : vector<16xi32>
      %lt3A_370 = vector.broadcast %sub3A_195 : i32 to vector<16xi32>
      %lt3A_371 = arith.cmpi slt, %add3A_367, %lt3A_370 : vector<16xi32>
      %and3A_372 = arith.andi %ge3A_369, %lt3A_371 : vector<16xi1>
      %sub3A_373 = vector.broadcast %mul3A_59 : i32 to vector<16xi32>
      %sub3A_374 = arith.subi %get3A_364, %sub3A_373 : vector<16xi32>
      %add3A_375 = arith.constant 2048 : i32
      %add3A_376 = vector.broadcast %add3A_375 : i32 to vector<16xi32>
      %add3A_377 = arith.addi %add3A_376, %iota3A : vector<16xi32>
      %select_n3A_378 = arith.select %and3A_372, %sub3A_374, %add3A_377 : vector<16xi1>, vector<16xi32>
      %swap3A_379 = arith.index_cast %select_n3A_164 : i32 to index
      %swap3A_380 = arith.constant 96 : index
      %swap3A_381 = tpu.vector_load %arg9[%swap3A_379, %swap3A_380] {strides = array<i32>} : memref<6x128xi32, #tpu.memory_space<vmem>>, vector<1x16xi32>,
      %swap3A_382 = vector.shape_cast %swap3A_381 : vector<1x16xi32> to vector<16xi32>
      %swap3A_383 = vector.shape_cast %select_n3A_378 : vector<16xi32> to vector<1x16xi32>
      tpu.vector_store %arg9[%swap3A_379, %swap3A_380], %swap3A_383 {strides = array<i32>} : memref<6x128xi32, #tpu.memory_space<vmem>>, vector<1x16xi32>,
      %mul3A_384 = arith.constant 128 : i32
      %mul3A_385 = arith.muli %select_n3A_164, %mul3A_384 : i32
      %add3A_386 = arith.constant 112 : i32
      %add3A_387 = arith.addi %mul3A_385, %add3A_386 : i32
      %multiple_of3A_388 = tpu.assume_multiple %add3A_387, 16 : i32
      %get3A_389 = arith.index_cast %multiple_of3A_388 : i32 to index
      %get3A_390 = tpu.vector_load %arg7[%get3A_389] {strides = array<i32>} : memref<768xi32, #tpu.memory_space<vmem>>, vector<16xi32>,
      %get3A_391 = vector.shape_cast %get3A_390 : vector<16xi32> to vector<16xi32>
      %add3A_392 = arith.constant 112 : i32
      %add3A_393 = vector.broadcast %add3A_392 : i32 to vector<16xi32>
      %add3A_394 = arith.addi %add3A_393, %iota3A : vector<16xi32>
      %ge3A_395 = vector.broadcast %sub3A_191 : i32 to vector<16xi32>
      %ge3A_396 = arith.cmpi sge, %add3A_394, %ge3A_395 : vector<16xi32>
      %lt3A_397 = vector.broadcast %sub3A_195 : i32 to vector<16xi32>
      %lt3A_398 = arith.cmpi slt, %add3A_394, %lt3A_397 : vector<16xi32>
      %and3A_399 = arith.andi %ge3A_396, %lt3A_398 : vector<16xi1>
      %sub3A_400 = vector.broadcast %mul3A_59 : i32 to vector<16xi32>
      %sub3A_401 = arith.subi %get3A_391, %sub3A_400 : vector<16xi32>
      %add3A_402 = arith.constant 2048 : i32
      %add3A_403 = vector.broadcast %add3A_402 : i32 to vector<16xi32>
      %add3A_404 = arith.addi %add3A_403, %iota3A : vector<16xi32>
      %select_n3A_405 = arith.select %and3A_399, %sub3A_401, %add3A_404 : vector<16xi1>, vector<16xi32>
      %swap3A_406 = arith.index_cast %select_n3A_164 : i32 to index
      %swap3A_407 = arith.constant 112 : index
      %swap3A_408 = tpu.vector_load %arg9[%swap3A_406, %swap3A_407] {strides = array<i32>} : memref<6x128xi32, #tpu.memory_space<vmem>>, vector<1x16xi32>,
      %swap3A_409 = vector.shape_cast %swap3A_408 : vector<1x16xi32> to vector<16xi32>
      %swap3A_410 = vector.shape_cast %select_n3A_405 : vector<16xi32> to vector<1x16xi32>
      tpu.vector_store %arg9[%swap3A_406, %swap3A_407], %swap3A_410 {strides = array<i32>} : memref<6x128xi32, #tpu.memory_space<vmem>>, vector<1x16xi32>,
      %dma_start3A = arith.constant 0 : i32
      %dma_start3A_411 = arith.constant 0 : i32
      %dma_start3A_412 = tpu.memref_slice %arg8[%select_n3A_164, %dma_start3A, %dma_start3A_411] : memref<6x128x128xf32, #tpu.memory_space<vmem>> -> memref<1x128x128xf32, #tpu.memory_space<vmem>>
      %dma_start3A_413 = tpu.memref_squeeze %dma_start3A_412 : memref<1x128x128xf32, #tpu.memory_space<vmem>> -> memref<128x128xf32, #tpu.memory_space<vmem>>
      %dma_start3A_414 = arith.constant 0 : i32
      %dma_start3A_415 = tpu.memref_slice %arg9[%select_n3A_164, %dma_start3A_414] : memref<6x128xi32, #tpu.memory_space<vmem>> -> memref<1x128xi32, #tpu.memory_space<vmem>>
      %dma_start3A_416 = tpu.memref_squeeze %dma_start3A_415 : memref<1x128xi32, #tpu.memory_space<vmem>> -> memref<128xi32, #tpu.memory_space<vmem>>
      %dma_start3A_417 = arith.constant 0 : i32
      %dma_start3A_418 = arith.constant 0 : i32
      %dma_start3A_419 = tpu.memref_slice %arg10[%dma_start3A_417, %dma_start3A_418] : memref<2176x128xf32, #tpu.memory_space<vmem_shared>> -> memref<2176x128xf32, #tpu.memory_space<vmem_shared>>
      %dma_start3A_420 = tpu.memref_slice %arg12[%select_n3A_164] : memref<6x!tpu.dma_semaphore, #tpu.memory_space<semaphore_mem>> -> memref<1x!tpu.dma_semaphore, #tpu.memory_space<semaphore_mem>>
      %dma_start3A_421 = tpu.memref_squeeze %dma_start3A_420 : memref<1x!tpu.dma_semaphore, #tpu.memory_space<semaphore_mem>> -> memref<!tpu.dma_semaphore, #tpu.memory_space<semaphore_mem>>
      tpu.enqueue_indirect_dma source(%dma_start3A_413 : memref<128x128xf32, #tpu.memory_space<vmem>>) target(%dma_start3A_419 : memref<2176x128xf32, #tpu.memory_space<vmem_shared>>) offsets(%dma_start3A_416 : memref<128xi32, #tpu.memory_space<vmem>>) semaphore(%dma_start3A_421 : memref<!tpu.dma_semaphore, #tpu.memory_space<semaphore_mem>>) {add = true}
    }
    %ge3A = arith.constant 2 : i32
    %ge3A_122 = arith.cmpi sge, %select_n3A_91, %ge3A : i32
    %convert_element_type3A_123 = arith.extui %ge3A_122 : i1 to i32
    %cond3A_124 = arith.constant 0 : i32
    %cond3A_125 = arith.cmpi ne, %convert_element_type3A_123, %cond3A_124 : i32
    scf.if %cond3A_125 {
      %sub3A_139 = arith.constant 2 : i32
      %sub3A_140 = arith.subi %select_n3A_91, %sub3A_139 : i32
      %jit3A_141 = arith.constant 6 : i32
      %eq3A = arith.constant 0 : i32
      %eq3A_142 = arith.cmpi eq, %jit3A_141, %eq3A : i32
      %jit3A_143 = arith.constant 1 : i32
      %select_n3A_144 = arith.select %eq3A_142, %jit3A_143, %jit3A_141 : i32
      %rem3A_145 = arith.remsi %sub3A_140, %select_n3A_144 : i32
      %ne3A_146 = arith.constant 0 : i32
      %ne3A_147 = arith.cmpi ne, %rem3A_145, %ne3A_146 : i32
      %lt3A = arith.constant 0 : i32
      %lt3A_148 = arith.cmpi slt, %rem3A_145, %lt3A : i32
      %lt3A_149 = arith.constant 0 : i32
      %lt3A_150 = arith.cmpi slt, %select_n3A_144, %lt3A_149 : i32
      %ne3A_151 = arith.xori %lt3A_148, %lt3A_150 : i1
      %and3A_152 = arith.andi %ne3A_151, %ne3A_147 : i1
      %add3A_153 = arith.addi %rem3A_145, %select_n3A_144 : i32
      %select_n3A_154 = arith.select %and3A_152, %add3A_153, %rem3A_145 : i32
      %dma_wait3A = arith.constant 0 : i32
      %dma_wait3A_155 = arith.constant 0 : i32
      %dma_wait3A_156 = tpu.memref_slice %arg8[%select_n3A_154, %dma_wait3A, %dma_wait3A_155] : memref<6x128x128xf32, #tpu.memory_space<vmem>> -> memref<1x128x128xf32, #tpu.memory_space<vmem>>
      %dma_wait3A_157 = tpu.memref_squeeze %dma_wait3A_156 : memref<1x128x128xf32, #tpu.memory_space<vmem>> -> memref<128x128xf32, #tpu.memory_space<vmem>>
      %dma_wait3A_158 = arith.constant 0 : i32
      %dma_wait3A_159 = tpu.memref_slice %arg9[%select_n3A_154, %dma_wait3A_158] : memref<6x128xi32, #tpu.memory_space<vmem>> -> memref<1x128xi32, #tpu.memory_space<vmem>>
      %dma_wait3A_160 = tpu.memref_squeeze %dma_wait3A_159 : memref<1x128xi32, #tpu.memory_space<vmem>> -> memref<128xi32, #tpu.memory_space<vmem>>
      %dma_wait3A_161 = arith.constant 0 : i32
      %dma_wait3A_162 = arith.constant 0 : i32
      %dma_wait3A_163 = tpu.memref_slice %arg10[%dma_wait3A_161, %dma_wait3A_162] : memref<2176x128xf32, #tpu.memory_space<vmem_shared>> -> memref<2176x128xf32, #tpu.memory_space<vmem_shared>>
      %dma_wait3A_164 = tpu.memref_slice %arg12[%select_n3A_154] : memref<6x!tpu.dma_semaphore, #tpu.memory_space<semaphore_mem>> -> memref<1x!tpu.dma_semaphore, #tpu.memory_space<semaphore_mem>>
      %dma_wait3A_165 = tpu.memref_squeeze %dma_wait3A_164 : memref<1x!tpu.dma_semaphore, #tpu.memory_space<semaphore_mem>> -> memref<!tpu.dma_semaphore, #tpu.memory_space<semaphore_mem>>
      tpu.wait_indirect_dma semaphore(%dma_wait3A_165 : memref<!tpu.dma_semaphore, #tpu.memory_space<semaphore_mem>>) src(%dma_wait3A_157 : memref<128x128xf32, #tpu.memory_space<vmem>>) dst(%dma_wait3A_163 : memref<2176x128xf32, #tpu.memory_space<vmem_shared>>)
    } else {
    }
    %ge3A_126 = arith.constant 1 : i32
    %ge3A_127 = arith.cmpi sge, %select_n3A_91, %ge3A_126 : i32
    %convert_element_type3A_128 = arith.extui %ge3A_127 : i1 to i32
    %cond3A_129 = arith.constant 0 : i32
    %cond3A_130 = arith.cmpi ne, %convert_element_type3A_128, %cond3A_129 : i32
    scf.if %cond3A_130 {
      %sub3A_139 = arith.constant 1 : i32
      %sub3A_140 = arith.subi %select_n3A_91, %sub3A_139 : i32
      %jit3A_141 = arith.constant 6 : i32
      %eq3A = arith.constant 0 : i32
      %eq3A_142 = arith.cmpi eq, %jit3A_141, %eq3A : i32
      %jit3A_143 = arith.constant 1 : i32
      %select_n3A_144 = arith.select %eq3A_142, %jit3A_143, %jit3A_141 : i32
      %rem3A_145 = arith.remsi %sub3A_140, %select_n3A_144 : i32
      %ne3A_146 = arith.constant 0 : i32
      %ne3A_147 = arith.cmpi ne, %rem3A_145, %ne3A_146 : i32
      %lt3A = arith.constant 0 : i32
      %lt3A_148 = arith.cmpi slt, %rem3A_145, %lt3A : i32
      %lt3A_149 = arith.constant 0 : i32
      %lt3A_150 = arith.cmpi slt, %select_n3A_144, %lt3A_149 : i32
      %ne3A_151 = arith.xori %lt3A_148, %lt3A_150 : i1
      %and3A_152 = arith.andi %ne3A_151, %ne3A_147 : i1
      %add3A_153 = arith.addi %rem3A_145, %select_n3A_144 : i32
      %select_n3A_154 = arith.select %and3A_152, %add3A_153, %rem3A_145 : i32
      %dma_wait3A = arith.constant 0 : i32
      %dma_wait3A_155 = arith.constant 0 : i32
      %dma_wait3A_156 = tpu.memref_slice %arg8[%select_n3A_154, %dma_wait3A, %dma_wait3A_155] : memref<6x128x128xf32, #tpu.memory_space<vmem>> -> memref<1x128x128xf32, #tpu.memory_space<vmem>>
      %dma_wait3A_157 = tpu.memref_squeeze %dma_wait3A_156 : memref<1x128x128xf32, #tpu.memory_space<vmem>> -> memref<128x128xf32, #tpu.memory_space<vmem>>
      %dma_wait3A_158 = arith.constant 0 : i32
      %dma_wait3A_159 = tpu.memref_slice %arg9[%select_n3A_154, %dma_wait3A_158] : memref<6x128xi32, #tpu.memory_space<vmem>> -> memref<1x128xi32, #tpu.memory_space<vmem>>
      %dma_wait3A_160 = tpu.memref_squeeze %dma_wait3A_159 : memref<1x128xi32, #tpu.memory_space<vmem>> -> memref<128xi32, #tpu.memory_space<vmem>>
      %dma_wait3A_161 = arith.constant 0 : i32
      %dma_wait3A_162 = arith.constant 0 : i32
      %dma_wait3A_163 = tpu.memref_slice %arg10[%dma_wait3A_161, %dma_wait3A_162] : memref<2176x128xf32, #tpu.memory_space<vmem_shared>> -> memref<2176x128xf32, #tpu.memory_space<vmem_shared>>
      %dma_wait3A_164 = tpu.memref_slice %arg12[%select_n3A_154] : memref<6x!tpu.dma_semaphore, #tpu.memory_space<semaphore_mem>> -> memref<1x!tpu.dma_semaphore, #tpu.memory_space<semaphore_mem>>
      %dma_wait3A_165 = tpu.memref_squeeze %dma_wait3A_164 : memref<1x!tpu.dma_semaphore, #tpu.memory_space<semaphore_mem>> -> memref<!tpu.dma_semaphore, #tpu.memory_space<semaphore_mem>>
      tpu.wait_indirect_dma semaphore(%dma_wait3A_165 : memref<!tpu.dma_semaphore, #tpu.memory_space<semaphore_mem>>) src(%dma_wait3A_157 : memref<128x128xf32, #tpu.memory_space<vmem>>) dst(%dma_wait3A_163 : memref<2176x128xf32, #tpu.memory_space<vmem_shared>>)
    } else {
    }
    %barrier3A_131 = arith.constant 0 : index
    tpu.barrier barrier_id(%barrier3A_131)
    %mul3A_132 = arith.constant 128 : i32
    %mul3A_133 = arith.muli %arg1, %mul3A_132 : i32
    %run_scoped3A_134 = arith.constant 0 : i32
    "tpu.region"() ({
      %run_scoped3A_139 = tpu.sem_alloc : memref<!tpu.dma_semaphore, #tpu.memory_space<semaphore_mem>>
      %dma_start3A = arith.constant 0 : i32
      %dma_start3A_140 = arith.constant 0 : i32
      %dma_start3A_141 = tpu.memref_slice %arg8[%run_scoped3A_134, %dma_start3A, %dma_start3A_140] : memref<6x128x128xf32, #tpu.memory_space<vmem>> -> memref<1x128x128xf32, #tpu.memory_space<vmem>>
      %dma_start3A_142 = tpu.memref_squeeze %dma_start3A_141 : memref<1x128x128xf32, #tpu.memory_space<vmem>> -> memref<128x128xf32, #tpu.memory_space<vmem>>
      %dma_start3A_143 = arith.constant 0 : i32
      %dma_start3A_144 = tpu.memref_slice %arg10[%mul3A_133, %dma_start3A_143] : memref<2176x128xf32, #tpu.memory_space<vmem_shared>> -> memref<128x128xf32, #tpu.memory_space<vmem_shared>>
      %dma_start3A_145 = arith.constant 0 : i32
      %dma_start3A_146 = arith.constant 0 : i32
      %dma_start3A_147 = tpu.memref_slice %arg8[%run_scoped3A_134, %dma_start3A_145, %dma_start3A_146] : memref<6x128x128xf32, #tpu.memory_space<vmem>> -> memref<1x128x128xf32, #tpu.memory_space<vmem>>
      %dma_start3A_148 = tpu.memref_squeeze %dma_start3A_147 : memref<1x128x128xf32, #tpu.memory_space<vmem>> -> memref<128x128xf32, #tpu.memory_space<vmem>>
      %dma_start3A_149 = arith.constant 0 : i32
      %dma_start3A_150 = tpu.memref_slice %arg10[%mul3A_133, %dma_start3A_149] : memref<2176x128xf32, #tpu.memory_space<vmem_shared>> -> memref<128x128xf32, #tpu.memory_space<vmem_shared>>
      tpu.enqueue_dma source(%dma_start3A_150 : memref<128x128xf32, #tpu.memory_space<vmem_shared>>) target(%dma_start3A_148 : memref<128x128xf32, #tpu.memory_space<vmem>>) target_semaphore(%run_scoped3A_139 : memref<!tpu.dma_semaphore, #tpu.memory_space<semaphore_mem>>)
      %dma_wait3A = arith.constant 0 : i32
      %dma_wait3A_151 = arith.constant 0 : i32
      %dma_wait3A_152 = tpu.memref_slice %arg8[%run_scoped3A_134, %dma_wait3A, %dma_wait3A_151] : memref<6x128x128xf32, #tpu.memory_space<vmem>> -> memref<1x128x128xf32, #tpu.memory_space<vmem>>
      %dma_wait3A_153 = tpu.memref_squeeze %dma_wait3A_152 : memref<1x128x128xf32, #tpu.memory_space<vmem>> -> memref<128x128xf32, #tpu.memory_space<vmem>>
      %dma_wait3A_154 = arith.constant 0 : i32
      %dma_wait3A_155 = tpu.memref_slice %arg10[%mul3A_133, %dma_wait3A_154] : memref<2176x128xf32, #tpu.memory_space<vmem_shared>> -> memref<128x128xf32, #tpu.memory_space<vmem_shared>>
      %dma_wait3A_156 = arith.constant 0 : i32
      %dma_wait3A_157 = arith.constant 0 : i32
      %dma_wait3A_158 = tpu.memref_slice %arg8[%run_scoped3A_134, %dma_wait3A_156, %dma_wait3A_157] : memref<6x128x128xf32, #tpu.memory_space<vmem>> -> memref<1x128x128xf32, #tpu.memory_space<vmem>>
      %dma_wait3A_159 = tpu.memref_squeeze %dma_wait3A_158 : memref<1x128x128xf32, #tpu.memory_space<vmem>> -> memref<128x128xf32, #tpu.memory_space<vmem>>
      %dma_wait3A_160 = arith.constant 0 : i32
      %dma_wait3A_161 = tpu.memref_slice %arg10[%mul3A_133, %dma_wait3A_160] : memref<2176x128xf32, #tpu.memory_space<vmem_shared>> -> memref<128x128xf32, #tpu.memory_space<vmem_shared>>
      tpu.wait_dma2 semaphore(%run_scoped3A_139 : memref<!tpu.dma_semaphore, #tpu.memory_space<semaphore_mem>>) src(%dma_wait3A_161 : memref<128x128xf32, #tpu.memory_space<vmem_shared>>) dst(%dma_wait3A_159 : memref<128x128xf32, #tpu.memory_space<vmem>>)
      tpu.yield
    }) : () -> ()
    %mul3A_135 = arith.constant 128 : i32
    %mul3A_136 = arith.muli %arg1, %mul3A_135 : i32
    %add3A_137 = arith.addi %mul3A_59, %mul3A_136 : i32
    %run_scoped3A_138 = arith.constant 0 : i32
    "tpu.region"() ({
      %run_scoped3A_139 = tpu.sem_alloc : memref<!tpu.dma_semaphore, #tpu.memory_space<semaphore_mem>>
      %dma_start3A = arith.constant 0 : i32
      %dma_start3A_140 = arith.constant 0 : i32
      %dma_start3A_141 = tpu.memref_slice %arg8[%run_scoped3A_138, %dma_start3A, %dma_start3A_140] : memref<6x128x128xf32, #tpu.memory_space<vmem>> -> memref<1x128x128xf32, #tpu.memory_space<vmem>>
      %dma_start3A_142 = tpu.memref_squeeze %dma_start3A_141 : memref<1x128x128xf32, #tpu.memory_space<vmem>> -> memref<128x128xf32, #tpu.memory_space<vmem>>
      %dma_start3A_143 = arith.constant 0 : i32
      %dma_start3A_144 = tpu.memref_slice %arg5[%add3A_137, %dma_start3A_143] : memref<4096x128xf32, #tpu.memory_space<hbm>> -> memref<128x128xf32, #tpu.memory_space<hbm>>
      %dma_start3A_145 = arith.constant 0 : i32
      %dma_start3A_146 = tpu.memref_slice %arg5[%add3A_137, %dma_start3A_145] : memref<4096x128xf32, #tpu.memory_space<hbm>> -> memref<128x128xf32, #tpu.memory_space<hbm>>
      %dma_start3A_147 = arith.constant 0 : i32
      %dma_start3A_148 = arith.constant 0 : i32
      %dma_start3A_149 = tpu.memref_slice %arg8[%run_scoped3A_138, %dma_start3A_147, %dma_start3A_148] : memref<6x128x128xf32, #tpu.memory_space<vmem>> -> memref<1x128x128xf32, #tpu.memory_space<vmem>>
      %dma_start3A_150 = tpu.memref_squeeze %dma_start3A_149 : memref<1x128x128xf32, #tpu.memory_space<vmem>> -> memref<128x128xf32, #tpu.memory_space<vmem>>
      tpu.enqueue_dma source(%dma_start3A_150 : memref<128x128xf32, #tpu.memory_space<vmem>>) target(%dma_start3A_146 : memref<128x128xf32, #tpu.memory_space<hbm>>) target_semaphore(%run_scoped3A_139 : memref<!tpu.dma_semaphore, #tpu.memory_space<semaphore_mem>>)
      %dma_wait3A = arith.constant 0 : i32
      %dma_wait3A_151 = arith.constant 0 : i32
      %dma_wait3A_152 = tpu.memref_slice %arg8[%run_scoped3A_138, %dma_wait3A, %dma_wait3A_151] : memref<6x128x128xf32, #tpu.memory_space<vmem>> -> memref<1x128x128xf32, #tpu.memory_space<vmem>>
      %dma_wait3A_153 = tpu.memref_squeeze %dma_wait3A_152 : memref<1x128x128xf32, #tpu.memory_space<vmem>> -> memref<128x128xf32, #tpu.memory_space<vmem>>
      %dma_wait3A_154 = arith.constant 0 : i32
      %dma_wait3A_155 = tpu.memref_slice %arg5[%add3A_137, %dma_wait3A_154] : memref<4096x128xf32, #tpu.memory_space<hbm>> -> memref<128x128xf32, #tpu.memory_space<hbm>>
      %dma_wait3A_156 = arith.constant 0 : i32
      %dma_wait3A_157 = tpu.memref_slice %arg5[%add3A_137, %dma_wait3A_156] : memref<4096x128xf32, #tpu.memory_space<hbm>> -> memref<128x128xf32, #tpu.memory_space<hbm>>
      %dma_wait3A_158 = arith.constant 0 : i32
      %dma_wait3A_159 = arith.constant 0 : i32
      %dma_wait3A_160 = tpu.memref_slice %arg8[%run_scoped3A_138, %dma_wait3A_158, %dma_wait3A_159] : memref<6x128x128xf32, #tpu.memory_space<vmem>> -> memref<1x128x128xf32, #tpu.memory_space<vmem>>
      %dma_wait3A_161 = tpu.memref_squeeze %dma_wait3A_160 : memref<1x128x128xf32, #tpu.memory_space<vmem>> -> memref<128x128xf32, #tpu.memory_space<vmem>>
      tpu.wait_dma2 semaphore(%run_scoped3A_139 : memref<!tpu.dma_semaphore, #tpu.memory_space<semaphore_mem>>) src(%dma_wait3A_161 : memref<128x128xf32, #tpu.memory_space<vmem>>) dst(%dma_wait3A_157 : memref<128x128xf32, #tpu.memory_space<hbm>>)
      tpu.yield
    }) : () -> ()
    return
  }
}

</mosaic_0001>

<sc_bundles>
// kernel: kernel.3.cloned.1.call-start
scs
__scs_entry_jumppad:
0x0: {  	(pc) =	sbr.rel $0x88, $3  }
0x1: {  	(tag) =	ssettag $0x0;
	lr =	simm.s32 $0x1  }
0x2: {  	[smem:$0x3F9F] =	sst lr;
	_ =	strace $0xD0000000  }
0x3: {  	_ = 	snop  }
0x4: {  	_ = 	snop  }
0x5: {  	_ = 	snop  }
0x6: {  	_ = 	snop  }
0x7: {  	_ = 	snop  }
__scs_overlays_trampoline_lowered:
0x8: {  	[smem:$0x3FAE] =	sst s0  }
0x9: {  	[smem:$0x3FAF] =	sst s1  }
0xa: {  	[smem:$0x3FB0] =	sst s2  }
0xb: {  	[smem:$0x3FB1] =	sst s3  }
0xc: {  	[smem:$0x3FB2] =	sst s4  }
0xd: {  	[smem:$0x3FB3] =	sst s5  }
0xe: {  	[smem:$0x3FB4] =	sst s6  }
0xf: {  	[smem:$0x3FB5] =	sst s7  }
0x10: {  	[smem:$0x3FB6] =	sst s8  }
0x11: {  	[smem:$0x3FB7] =	sst s9;
	s0 =	simm.s32 @!p0 $0x0  }
0x12: {  	s1 =	sld [smem:$0x3F9D];
	s0 =	simm.s32 @p0 $0x1  }
0x13: {  	[smem:$0x3FB8] =	sst s0;
	s0 =	simm.s32 @!p1 $0x0  }
0x14: {  	s2 =	sld [smem:$0x3F9C];
	s0 =	simm.s32 @p1 $0x1  }
0x15: {  	[smem:$0x3FB9] =	sst s0;
	s0 =	simm.s32 @!p2 $0x0  }
0x16: {  	s3 =	sld [smem:$0x3FDB];
	s0 =	simm.s32 @p2 $0x1  }
0x17: {  	s4 =	simm.s32 $0x1BF5;
	[smem:$0x3FBB] =	sst s0  }
0x18: {  	s0 =	sld [smem:$0x3F9E];
	_ =	swait.ge [sflag:s4], $0x0  }
0x19: {  	s7 =	sld [smem:$0x3F9F]  }
0x1a: {  	s8 =	sadd.s32 $0xFFFFE003, lr  }
0x1b: {  	s9 =	sadd.s32 $0xFFFFFEF7, lr;
	s5 =	simm.s32 $0xFFFFFFFF;
	p2 =	slt.u32 s8, $0xFFFFF086  }
0x1c: {  	p1 =	slt.u32 s9, $0xF7A;
	s5 =	simm.s32 @!p2 $0x0  }
0x1d: {  	s5 =	simm.s32 @p1 $0x1;
	p0 =	seq.s32 s7, s2  }
0x1e: {  	s7 =	smul.u32 @!p0 $0xF7A, s2;
	p2 =	seq.s32 @!p0 s5, $0x0  }
0x1f: {  	s9 =	smul.u32 $0xF7A, s1;
	s8 =	simm.s32 @!p0 $0x1BF5;
	p2 =	por !p2, p0  }
0x20: {  	[sflag:s8] =	ssyncset.s32 @!p0 $0xFFFFF086;
	s6 =	sadd.s32 @!p0 s3, s7;
	s7 =	simm.s32 @!p0 $0x108  }
0x21: {  	s3 =	sadd.s32 s3, s9;
	s6 =	sadd.s32 @!p0 $0x88, s6;
	s7 =	simm.s32 @p2 $0x1082  }
0x22: {  	[simem:s7], [sflag:s8] =	dma.local @!p0 [hbm:s6], $0xF7A  }
0x23: {  	s9 =	sor.u32 $0xD0000000, s2;
	s6 =	simm.s32 $0x108;
	_ =	swait.ge @!p0 [sflag:s8], $0x0  }
0x24: {  	s3 =	sadd.s32 $0x88, s3;
	s6 =	simm.s32 @!p1 $0x1082;
	[sflag:s4] =	ssyncset.s32 $0xFFFFF086  }
0x25: {  	[simem:s6], [sflag:s4] =	dma.local [hbm:s3], $0xF7A  }
0x26: {  	[smem:$0x3F9F] =	sst s1;
	(tag) =	ssettag s2;
	_ =	strace s9  }
0x27: {  	s1 =	sld [smem:$0x3FAF]  }
0x28: {  	s2 =	sld [smem:$0x3FB0]  }
0x29: {  	s4 =	sld [smem:$0x3FB2]  }
0x2a: {  	p0 =	seq.s32 s5, $0x0;
	s5 =	sld [smem:$0x3FB3]  }
0x2b: {  	s6 =	sld [smem:$0x3FB4]  }
0x2c: {  	s7 =	sld [smem:$0x3FB5]  }
0x2d: {  	s3 =	simm.s32 $0x108;
	s8 =	sld [smem:$0x3FB6]  }
0x2e: {  	s3 =	simm.s32 @!p0 $0x1082;
	s9 =	sld [smem:$0x3FB7]  }
0x2f: {  	lr =	sadd.s32 s0, s3;
	s0 =	sld [smem:$0x3FAE]  }
0x30: {  	s3 =	sld [smem:$0x3FB1]  }
0x31: {  	[smem:$0x3FBA] =	sst s10  }
0x32: {  	s10 =	sld [smem:$0x3FB8];
	_ =	sdelay $0x3  }
0x33: {  	p0 =	seq.s32 s10, $0x1;
	s10 =	sld [smem:$0x3FBA];
	_ =	sdelay $0x3  }
0x34: {  	[smem:$0x3FBA] =	sst s10  }
0x35: {  	s10 =	sld [smem:$0x3FB9];
	_ =	sdelay $0x3  }
0x36: {  	p1 =	seq.s32 s10, $0x1;
	s10 =	sld [smem:$0x3FBA];
	_ =	sdelay $0x3  }
0x37: {  	[smem:$0x3FBA] =	sst s10  }
0x38: {  	s10 =	sld [smem:$0x3FBB]  }
0x39: {  	_ = 	snop;
	(pc) =	sbr.ind lr, $3  }
0x3a: {  	_ = 	snop  }
0x3b: {  	_ = 	snop  }
0x3c: {  	p2 =	seq.s32 s10, $0x1;
	s10 =	sld [smem:$0x3FBA]  }
0x3d: {  	_ =	shalt  }
0x3e: {  	_ =	shalt  }
0x3f: {  	_ =	shalt  }
0x40: {  	_ =	shalt  }
0x41: {  	_ =	shalt  }
0x42: {  	_ =	shalt  }
0x43: {  	_ =	shalt  }
0x44: {  	_ =	shalt  }
0x45: {  	_ =	shalt  }
0x46: {  	_ =	shalt  }
0x47: {  	_ =	shalt  }
0x48: {  	_ =	shalt  }
0x49: {  	_ =	shalt  }
0x4a: {  	_ =	shalt  }
0x4b: {  	_ =	shalt  }
0x4c: {  	_ =	shalt  }
0x4d: {  	_ =	shalt  }
0x4e: {  	_ =	shalt  }
0x4f: {  	_ =	shalt  }
0x50: {  	_ =	shalt  }
0x51: {  	_ =	shalt  }
0x52: {  	_ =	shalt  }
0x53: {  	_ =	shalt  }
0x54: {  	_ =	shalt  }
0x55: {  	_ =	shalt  }
0x56: {  	_ =	shalt  }
0x57: {  	_ =	shalt  }
0x58: {  	_ =	shalt  }
0x59: {  	_ =	shalt  }
0x5a: {  	_ =	shalt  }
0x5b: {  	_ =	shalt  }
0x5c: {  	_ =	shalt  }
0x5d: {  	_ =	shalt  }
0x5e: {  	_ =	shalt  }
0x5f: {  	_ =	shalt  }
0x60: {  	_ =	shalt  }
0x61: {  	_ =	shalt  }
0x62: {  	_ =	shalt  }
0x63: {  	_ =	shalt  }
0x64: {  	_ =	shalt  }
0x65: {  	_ =	shalt  }
0x66: {  	_ =	shalt  }
0x67: {  	_ =	shalt  }
0x68: {  	_ =	shalt  }
0x69: {  	_ =	shalt  }
0x6a: {  	_ =	shalt  }
0x6b: {  	_ =	shalt  }
0x6c: {  	_ =	shalt  }
0x6d: {  	_ =	shalt  }
0x6e: {  	_ =	shalt  }
0x6f: {  	_ =	shalt  }
0x70: {  	_ =	shalt  }
0x71: {  	_ =	shalt  }
0x72: {  	_ =	shalt  }
0x73: {  	_ =	shalt  }
0x74: {  	_ =	shalt  }
0x75: {  	_ =	shalt  }
0x76: {  	_ =	shalt  }
0x77: {  	_ =	shalt  }
0x78: {  	_ =	shalt  }
0x79: {  	_ =	shalt  }
0x7a: {  	_ =	shalt  }
0x7b: {  	_ =	shalt  }
0x7c: {  	_ =	shalt  }
0x7d: {  	_ =	shalt  }
0x7e: {  	_ =	shalt  }
0x7f: {  	_ =	shalt  }
0x80: {  	_ =	shalt  }
0x81: {  	_ =	shalt  }
0x82: {  	_ =	shalt  }
0x83: {  	_ =	shalt  }
0x84: {  	_ =	shalt  }
0x85: {  	_ =	shalt  }
0x86: {  	_ =	shalt  }
0x87: {  	_ =	shalt  }
.Lfunc_end0:
.L_simem_size_0:
called_computation_lowered:
.L_overlay_start_0:
0x88: {  	s2 =	sld [smem:$0x3FD9]  }
0x89: {  	s3 =	sld [smem:$0x3FFE];
	_ =	sdelay $0x1  }
0x8a: {  	s1 =	srdreg.scid  }
0x8b: {  	s0 =	sand.u32 $0x1, s1  }
0x8c: {  	s17 =	sshll.u32 s0, $0xA;
	s2 =	sadd.s32 s3, s2  }
0x8d: {  	s2 =	sadd.s32 s2, s17  }
0x8e: {  	[smem:$0x3FC6] =	sst s2  }
0x8f: {  	_ = 	snop  }
0x90: {  	s2 =	sld [smem:$0x3FC9]  }
0x91: {  	s18 =	sld [smem:$0x3FC8]  }
0x92: {  	s4 =	sld [smem:$0x3FD0];
	(tm) =	ssettm $0x1  }
0x93: {  	s5 =	sld [smem:$0x3FFB];
	_ =	sdelay $0x3  }
0x94: {  	_ =	strace s5  }
0x95: {  	s5 =	sld [smem:$0x3FFC];
	_ =	sdelay $0x3  }
0x96: {  	_ =	strace s5  }
0x97: {  	s5 =	sld [smem:$0x3FFD];
	_ =	sdelay $0x3  }
0x98: {  	_ =	strace s5  }
0x99: {  	_ =	strace $0x8FFFFFFF  }
0x9a: {  	s19 =	sld [smem:$0x3FDB];
	_ =	sdelay $0x1  }
0x9b: {  	s6 =	simm.s32 $_scs_section_size  }
0x9c: {  	s7 =	simm.s32 $_size__tile_overlayer_lowered;
	s8 =	simm.s32 $_tile_overlayer_lowered  }
0x9d: {  	s22 =	simm.s32 $0x1BFF;
	s21 =	sshll.u32 s8, $0x1;
	s5 =	sadd.s32 s6, s19  }
0x9e: {  	s9 =	simm.s32 $0x0;
	s20 =	sshll.u32 s7, $0x1;
	s7 =	sadd.s32 s21, s5  }
0x9f: {  	[timem:s9], [sflag:s22] =	dma.local [hbm:s7], s20  }
0xa0: {  	_ =	swait.ge [sflag:s22], s20  }
0xa1: {  	s6 =	ssub.s32 $0x0, s20;
	[sflag:s22] =	ssyncset.done $0x0  }
0xa2: {  	[sflag:s22] =	ssyncadd.s32 s6;
	_ =	sdelay $0x1  }
0xa3: {  	s23 =	simm.s32 $0x1B8B  }
0xa4: {  	_ =	swait.ge [sflag:s23], $0x1  }
0xa5: {  	[sflag:s23] =	ssyncset.done $0x0  }
0xa6: {  	s25 =	simm.s32 $0x1B8E;
	s24 =	sld [smem:$0x3FFE];
	[sflag:s23] =	ssyncadd.s32 $0xFFFFFFFF  }
0xa7: {  	s26 =	simm.s32 $execute0_lowered;
	[smem:$0x3FD2] =	sst s25  }
0xa8: {  	s7 =	sshll.u32 s26, $0x1;
	_ =	strace $0x80000046;
	[dreg:$0x1] =	wrdreg $0xFFFFFFFF  }
0xa9: {  	s28 =	simm.s32 $_size_execute0_lowered;
	s5 =	sadd.s32 s5, s7;
	[dreg:$0x0] =	wrdreg $0x0  }
0xaa: {  	s7 =	sshll.u32 s28, $0x1;
	[dreg:$0x2] =	wrdreg s5  }
0xab: {  	[dreg:$0x3] =	wrdreg s7  }
0xac: {  	[dreg:$0x4] =	wrdreg $0xC0  }
0xad: {  	_ =	task [dreg:s9], $0x5FFFF  }
0xae: {  	[dreg:$0x1] =	wrdreg $0xFFFFFFFF  }
0xaf: {  	[dreg:$0x0] =	wrdreg $0x60  }
0xb0: {  	[dreg:$0x2] =	wrdreg s2  }
0xb1: {  	[dreg:$0x3] =	wrdreg s18  }
0xb2: {  	[dreg:$0x4] =	wrdreg s24  }
0xb3: {  	[dreg:$0x5] =	wrdreg s4  }
0xb4: {  	[dreg:$0x6] =	wrdreg $0x187800  }
0xb5: {  	[dreg:$0x7] =	wrdreg $0x9  }
0xb6: {  	_ =	task.clear_ibuf [dreg:s9], $0x8FFFF;
	_ =	strace $0x90000046  }
0xb7: {  	s29 =	simm.s32 $0x9;
	_ =	strace $0x80000048  }
0xb8: {  	_ =	swait.ge [sflag:s29], $0x1  }
0xb9: {  	[sflag:s29] =	ssyncadd.s32 $0xFFFFFFFF  }
0xba: {  	_ =	strace $0x90000048  }
0xbb: {  	_ =	sfence  }
0xbc: {  	s30 =	sld [smem:$0x0];
	_ =	sdelay $0x2  }
0xbd: {  	s31 =	sshll.u32 s1, $0xD;
	s1 =	sshrl.u32 s1, $0x2  }
0xbe: {  	s3 =	sand.u32 $0x4000, s31;
	s1 =	sadd.s32 s1, s30  }
0xbf: {  	s0 =	sor.u32 s3, s0;
	s1 =	sshll.u32 s1, $0x11  }
0xc0: {  	s0 =	sor.u32 s1, s0  }
0xc1: {  	s0 =	sadd.s32 $0x8F2B, s0  }
0xc2: {  	[sflag:s0] =	ssyncadd.remote.s32 $0x1  }
0xc3: {  	_ =	sfence.sel $0xFFFF  }
0xc4: {  	[dreg:$0x0] =	wrdreg $0xFFFFFFFF;
	(pc) =	sbr.abs _section_cstart, $3  }
0xc5: {  	[dreg:$0x1] =	wrdreg $0xFFFFFFFF  }
0xc6: {  	_ =	task.clear_ibuf [dreg:s9], $0x2FFFF;
	_ =	strace $0x9FFFFFFF  }
0xc7: {  	(tm) =	ssettm $0x7FFFFFFF  }
tec
execute0_lowered:
.L_overlay_start_1:
0x0: {  	(tag) =	ssettag $0x1  }
0x1: {  	s1 =	rddreg [dreg:$0x0]  }
0x2: {  	s2 =	rddreg [dreg:$0x1]  }
0x3: {  	s0 =	rddreg [dreg:$0x3]  }
0x4: {  	s4 =	rddreg [dreg:$0x4];
	s3 =	srdreg.scid;
	s6 =	simm.s32 $0x0  }
0x5: {  	s11 =	stileid.u32;
	s13 =	simm.s32 $0xD;
	s3 =	sand.u32 $0x1, s3  }
0x6: {  	[smem:$0x7FF] =	sst s6;
	s9 =	smul.u32 $0x11000, s11;
	s28 =	sadd.s32 $0x1, s11  }
0x7: {  	s10 =	sshll.u32 s11, $0xE;
	s11 =	sshll.u32 s11, $0xB;
	s5 =	ssub.s32 $0x2, s3  }
0x8: {  	v0 =	vlaneseq.u32;
	s8 =	sshll.u32 s3, $0xB;
	_ =	strace $0x80000047;
	[dreg:$0x6] =	wrdreg s28  }
0x9: {  	v2 =	vimm.f32 $0.0e+00;
	v3 =	vadd.s32 $0x1, v0;
	v4 =	vor.u32 $0x800, v0;
	s30 =	sadd.s32 s10, s4;
	s7 =	sshrl.u32 s5, $0x1;
	s9 =	sshrl.u32 s9, $0x2  }
.Ltmp0:
0xa: {  	v5 =	vadd.s32 $0x11, v0;
	v6 =	vor.u32 $0x10, v0;
	v7 =	vadd.s32 $0x21, v0;
	[dreg:$0x8] =	wrdreg s30;
	s5 =	ssub.s32 s5, s7;
	(pc) =	sbr.rel .LBB2_1-.Ltmp0, $4  }
0xb: {  	v8 =	vor.u32 $0x20, v0;
	v9 =	vadd.s32 $0x31, v0;
	v10 =	vor.u32 $0x30, v0;
	s7 =	sshll.u32 s3, $0x4;
	s3 =	sshll.u32 s3, $0xF;
	s29 =	sadd.s32 s9, s4  }
0xc: {  	v11 =	vadd.s32 $0x41, v0;
	v12 =	vor.u32 $0x40, v0;
	v13 =	vadd.s32 $0x51, v0;
	s0 =	sadd.s32 s0, s3;
	[dreg:$0x7] =	wrdreg s29;
	s31 =	smax.u32 s5, $0x1  }
0xd: {  	s14 =	simm.s32 $0x80;
	v14 =	vor.u32 $0x50, v0;
	v15 =	vadd.s32 $0x61, v0;
	v16 =	vor.u32 $0x60, v0;
	s0 =	sadd.s32 s11, s0;
	[dreg:$0xa] =	wrdreg s31  }
0xe: {  	s17 =	simm.s32 $0x0;
	v17 =	vadd.s32 $0x71, v0;
	v18 =	vor.u32 $0x70, v0;
	v1 =	vmov s8;
	s9 =	simm.s32 $0x380;
	[dreg:$0x9] =	wrdreg s0  }
.LBB2_8:
0xf: {  	vm1 =	vgt.s32 v19, v18  }
0x10: {  	v19 =	vsub.s32 v20, v1;
	vm0 =	vmand vm0, vm1  }
0x11: {  	v19 =	vsel vm0, v19, v4  }
0x12: {  	s3 =	sadd.s32 s16, s3;
	s0 =	sadd.s32 s30, s0;
	s9 =	simm.s32 $0x380;
	[tilespmem:s29+$0x70] =	vst v19  }
0x13: {  	[spmem:s4] =	stream.indirect.scatter.add.f32 [tilespmem:s3], [sflag:s0], $0x80, s29, s14, $0xb8;
	[tilespmem:$0x1CB80] =	vst v63  }
.LBB2_9:
0x14: {  	s0 =	sadd.s32 @p1 $0xFFFFFFFE, s19  }
0x15: {  	s3 =	smulhi.u32 @p1 $0xAAAAAAAB, s0  }
0x16: {  	s5 =	sadd.s32 @!p0 $0xFFFFFFFF, s19  }
0x17: {  	s8 =	smulhi.u32 @!p0 $0xAAAAAAAB, s5;
	s3 =	sshrl.u32 @p1 s3, $0x2  }
0x18: {  	s3 =	smul.u32 @p1 $0x6, s3;
	_ =	sdelay $0x1  }
0x19: {  	s0 =	ssub.s32 @p1 s0, s3;
	s3 =	sshrl.u32 @!p0 s8, $0x2  }
0x1a: {  	s0 =	sadd.s32 @p1 $0x7, s0;
	s3 =	smul.u32 @!p0 $0x6, s3  }
0x1b: {  	_ =	swait.ge @p1 [sflag:s0], $0x4000  }
0x1c: {  	[sflag:s0] =	ssyncset.done @p1 $0x0;
	s3 =	ssub.s32 @!p0 s5, s3  }
0x1d: {  	[sflag:s0] =	ssyncadd.s32 @p1 $0xFFFFC000;
	s0 =	sadd.s32 @!p0 $0x7, s3  }
0x1e: {  	_ =	swait.ge @!p0 [sflag:s0], $0x4000  }
0x1f: {  	[sflag:s0] =	ssyncset.done @!p0 $0x0  }
0x20: {  	[sflag:s0] =	ssyncadd.s32 @!p0 $0xFFFFC000  }
0x21: {  	[bflag:$0x0] =	sbarrier.arrive $0xFFFF  }
0x22: {  	s29 =	rddreg [dreg:$0x8]  }
0x23: {  	[tilespmem:s9], [sflag:$0xD] =	stream.linear.gather [spmem:s29], $0x4000, $0x38;
	[tilespmem:$0x1CB80] =	vst v63  }
0x24: {  	_ =	swait.ge [sflag:s13], $0x4000  }
0x25: {  	[sflag:s13] =	ssyncset.done $0x0  }
0x26: {  	s30 =	rddreg [dreg:$0x9];
	[sflag:s13] =	ssyncadd.s32 $0xFFFFC000  }
0x27: {  	[hbm4b:s30+s6] =	stream.linear.scatter [tilespmem:s9], [sflag:$0xD], $0x4000, $0x38;
	[tilespmem:$0x1CB80] =	vst v63  }
0x28: {  	_ =	swait.ge [sflag:s13], $0x4000  }
0x29: {  	s17 =	sadd.s32 $0x1, s17;
	s31 =	rddreg [dreg:$0xa]  }
0x2a: {  	p0 =	sne.s32 s17, s31  }
.Ltmp1:
0x2b: {  	_ = 	snop;
	(pc) =	sbr.rel @!p0 .LBB2_10-.Ltmp1, $3  }
0x2c: {  	_ =	sdelay $0x1  }
0x2d: {  	[sflag:s13] =	ssyncset.done $0x0  }
0x2e: {  	[sflag:s13] =	ssyncadd.s32 $0xFFFFC000  }
.LBB2_1:
0x2f: {  	s0 =	rddreg [dreg:$0x2]  }
0x30: {  	[tilespmem:s6], [sflag:$0xD] =	stream.linear.gather [hbm4b:s0+s6], $0x80, $0x38;
	[tilespmem:$0x1CB80] =	vst v63  }
0x31: {  	_ =	swait.ge [sflag:s13], $0x80  }
0x32: {  	[sflag:s13] =	ssyncset.done $0x0  }
0x33: {  	[sflag:s13] =	ssyncadd.s32 $0xFFFFFF80  }
0x34: {  	v19 =	vld [tilespmem:s7+$0x0]  }
0x35: {  	v20 =	vld [tilespmem:s7+$0x10];
	_ =	sdelay $0x3  }
0x36: {  	(v2sf) =	vpush v19, $0x0  }
0x37: {  	(v2sf) =	vpush v20, $0x0;
	_ =	sdelay $0xd  }
0x38: {  	s26 =	spop (v2sf)  }
0x39: {  	s3 =	spop (v2sf)  }
0x3a: {  	s5 =	stileid.u32;
	s3 =	ssub.s32 s3, s26  }
0x3b: {  	s8 =	rddreg [dreg:$0x6];
	s5 =	smul.u32 s5, s3  }
0x3c: {  	s3 =	smul.u32 s8, s3  }
0x3d: {  	s16 =	sshra.s32 s5, $0x1F  }
0x3e: {  	s18 =	sand.u32 $0xF, s5;
	p0 =	slt.s32 s5, $0x1;
	s28 =	sand.u32 $0xF, s3  }
0x3f: {  	s29 =	sshra.s32 s3, $0x1F;
	p4 =	slt.s32 s3, $0x1;
	s16 =	sshrl.u32 s16, $0x1C  }
0x40: {  	p1 =	sne.s32 s18, $0x0;
	s18 =	simm.s32 $0x1;
	p3 =	sne.s32 s28, $0x0  }
0x41: {  	s5 =	sadd.s32 s16, s5;
	p0 =	por !p0, !p1;
	s16 =	sshrl.u32 s29, $0x1C  }
0x42: {  	s5 =	sshra.s32 s5, $0x4;
	p0 =	por !p0, !p0;
	s3 =	sadd.s32 s16, s3  }
0x43: {  	s16 =	simm.s32 $0x1;
	s18 =	simm.s32 @!p0 $0x0;
	p0 =	por !p4, !p3  }
0x44: {  	s5 =	sadd.s32 s26, s5;
	s3 =	sshra.s32 s3, $0x4;
	p0 =	por !p0, !p0  }
0x45: {  	s18 =	ssub.s32 s5, s18;
	s0 =	sadd.s32 s26, s3;
	s16 =	simm.s32 @!p0 $0x0  }
0x46: {  	s24 =	sand.u32 $0xFFFFFFF8, s18;
	s20 =	ssub.s32 s0, s16  }
0x47: {  	s0 =	ssub.s32 s20, s24  }
0x48: {  	s0 =	sadd.s32 $0x7F, s0  }
0x49: {  	s30 =	sand.u32 $0x7F, s0  }
0x4a: {  	s31 =	sshra.s32 s0, $0x1F;
	p6 =	slt.s32 s0, $0x1;
	p5 =	sne.s32 s30, $0x0  }
0x4b: {  	s3 =	sshrl.u32 s31, $0x19;
	p0 =	por !p6, !p5  }
0x4c: {  	s0 =	sadd.s32 s3, s0;
	s3 =	simm.s32 $0x1;
	p0 =	por !p0, !p0  }
0x4d: {  	s0 =	sshra.s32 s0, $0x7;
	s3 =	simm.s32 @!p0 $0x0  }
0x4e: {  	s19 =	ssub.s32 s0, s3  }
0x4f: {  	p0 =	slt.s32 s19, $0x1  }
.Ltmp2:
0x50: {  	_ = 	snop;
	(pc) =	sbr.rel @p0 .LBB2_3-.Ltmp2, $2  }
0x51: {  	_ =	sdelay $0x2  }
0x52: {  	p1 =	por $0x0, $0x0  }
0x53: {  	p1 =	slt.s32 s24, $0x18620;
	s0 =	smov.u32 s24  }
0x54: {  	s0 =	simm.s32 @!p1 $0x18620  }
0x55: {  	s3 =	sshrl.u32 s0, $0x3  }
0x56: {  	s0 =	sshll.u32 s0, $0x4;
	s3 =	sadd.s32 s2, s3  }
0x57: {  	[tilespmem:s14], [sflag:$0x1] =	stream.linear.gather [hbm4b:s3+s6], $0x80, $0x38;
	[tilespmem:$0x1CB80] =	vst v63  }
0x58: {  	p2 =	seq.s32 s19, $0x1;
	s0 =	sadd.s32 s1, s0  }
0x59: {  	[tilespmem:s9], [sflag:$0x1] =	stream.linear.gather [hbm4b:s0+s6], $0x4000, $0x38;
	[tilespmem:$0x1CB80] =	vst v63  }
0x5a: {  	s0 =	sadd.s32 @!p2 $0x80, s24  }
0x5b: {  	p1 =	slt.s32 @!p2 s0, $0x18620  }
0x5c: {  	p1 =	por !p1, p2  }
0x5d: {  	s0 =	simm.s32 @p1 $0x18620  }
0x5e: {  	s5 =	simm.s32 @!p2 $0x0;
	s16 =	simm.s32 @!p2 $0x100;
	s3 =	sshrl.u32 @!p2 s0, $0x3  }
0x5f: {  	p1 =	slt.u32 @!p2 s19, $0x3;
	s0 =	sshll.u32 @!p2 s0, $0x4;
	s3 =	sadd.s32 @!p2 s2, s3  }
0x60: {  	[tilespmem:s16], [sflag:$0x2] =	stream.linear.gather @!p2 [hbm4b:s3+s5], $0x80, $0x38;
	[tilespmem:$0x1CB80] =	vst v63  }
0x61: {  	p3 =	por p1, p2;
	s0 =	sadd.s32 @!p2 s1, s0;
	s3 =	simm.s32 @!p2 $0x4380  }
0x62: {  	[tilespmem:s3], [sflag:$0x2] =	stream.linear.gather @!p2 [hbm4b:s0+s5], $0x4000, $0x38;
	[tilespmem:$0x1CB80] =	vst v63  }
0x63: {  	s0 =	sadd.s32 @!p3 $0x100, s24  }
0x64: {  	p4 =	slt.s32 @!p3 s0, $0x18620  }
0x65: {  	p4 =	por @!p2 !p4, p1  }
0x66: {  	p4 =	por !p4, p2  }
0x67: {  	s0 =	simm.s32 @!p4 $0x18620;
	p4 =	seq.s32 @!p3 s19, $0x3  }
0x68: {  	s16 =	simm.s32 @!p3 $0x180;
	s3 =	sshrl.u32 @!p3 s0, $0x3;
	p5 =	por @!p2 p4, p1  }
0x69: {  	s5 =	simm.s32 @!p3 $0x0;
	s3 =	sadd.s32 @!p3 s2, s3;
	p5 =	por p5, p2  }
0x6a: {  	[tilespmem:s16], [sflag:$0x3] =	stream.linear.gather @!p3 [hbm4b:s3+s5], $0x80, $0x38;
	[tilespmem:$0x1CB80] =	vst v63  }
0x6b: {  	s3 =	sadd.s32 @!p5 $0x180, s24  }
0x6c: {  	s0 =	sshll.u32 @!p3 s0, $0x4;
	p6 =	slt.s32 @!p5 s3, $0x18620  }
0x6d: {  	s0 =	sadd.s32 @!p3 s1, s0;
	s16 =	simm.s32 @!p3 $0x8380;
	p6 =	por @!p3 !p6, p4  }
0x6e: {  	[tilespmem:s16], [sflag:$0x3] =	stream.linear.gather @!p3 [hbm4b:s0+s5], $0x4000, $0x38;
	[tilespmem:$0x1CB80] =	vst v63  }
0x6f: {  	p6 =	por @!p2 !p6, p1  }
0x70: {  	p6 =	por !p6, p2  }
0x71: {  	s3 =	simm.s32 @p6 $0x18620  }
0x72: {  	s0 =	sshrl.u32 @!p5 s3, $0x3  }
0x73: {  	s5 =	simm.s32 @!p5 $0x0;
	s16 =	simm.s32 @!p5 $0x200;
	s0 =	sadd.s32 @!p5 s2, s0  }
0x74: {  	[tilespmem:s16], [sflag:$0x4] =	stream.linear.gather @!p5 [hbm4b:s0+s5], $0x80, $0x38;
	[tilespmem:$0x1CB80] =	vst v63  }
0x75: {  	s0 =	sshll.u32 @!p5 s3, $0x4  }
0x76: {  	p4 =	por @!p2 !p4, p1;
	s3 =	simm.s32 @!p5 $0xC380;
	s0 =	sadd.s32 @!p5 s1, s0  }
0x77: {  	[tilespmem:s3], [sflag:$0x4] =	stream.linear.gather @!p5 [hbm4b:s0+s5], $0x4000, $0x38;
	[tilespmem:$0x1CB80] =	vst v63  }
0x78: {  	p3 =	por @!p3 $0x1, $0x1;
	p4 =	por !p4, p2;
	p5 =	por @!p5 $0x1, $0x1  }
0x79: {  	p1 =	por !p1, p2;
	p3 =	por @!p4 p5, p5;
	p4 =	por @!p2 $0x1, $0x1  }
0x7a: {  	p3 =	por @!p1 p4, p4;
	p1 =	por $0x0, $0x0  }
0x7b: {  	p1 =	por @!p2 p3, p3  }
.LBB2_3:
0x7c: {  	s0 =	simm.s32 $0x0;
	s3 =	simm.s32 $0x200  }
.LBB2_4:
0x7d: {  	p2 =	sne.s32 s3, $0x10E00;
	[tilespmem:s0+$0x143F0] =	vst v2  }
0x7e: {  	[tilespmem:s0+$0x14380] =	vst v2  }
0x7f: {  	[tilespmem:s0+$0x14390] =	vst v2  }
.Ltmp3:
0x80: {  	[tilespmem:s0+$0x143A0] =	vst v2;
	(pc) =	sbr.rel @p2 .LBB2_4-.Ltmp3, $4  }
0x81: {  	[tilespmem:s0+$0x143B0] =	vst v2  }
0x82: {  	[tilespmem:s0+$0x143C0] =	vst v2  }
0x83: {  	[tilespmem:s0+$0x143D0] =	vst v2  }
0x84: {  	[tilespmem:s0+$0x143E0] =	vst v2;
	s0 =	sshra.s32 s3, $0x2;
	s3 =	sadd.s32 $0x200, s3  }
0x85: {  	[tilespmem:s0+$0x143F0] =	vst v2  }
0x86: {  	[tilespmem:s0+$0x14380] =	vst v2  }
0x87: {  	[tilespmem:s0+$0x14390] =	vst v2  }
0x88: {  	[tilespmem:s0+$0x143A0] =	vst v2  }
0x89: {  	[tilespmem:s0+$0x143B0] =	vst v2  }
0x8a: {  	[tilespmem:s0+$0x143C0] =	vst v2  }
0x8b: {  	[tilespmem:s0+$0x143D0] =	vst v2  }
0x8c: {  	[tilespmem:s0+$0x143E0] =	vst v2  }
0x8d: {  	s3 =	simm.s32 $0x14380;
	s0 =	rddreg [dreg:$0x7]  }
0x8e: {  	[spmem:s0] =	stream.linear.scatter [tilespmem:s3], [sflag:$0xD], $0x4400, $0x38;
	[tilespmem:$0x1CB80] =	vst v63  }
.Ltmp4:
0x8f: {  	_ =	swait.ge [sflag:s13], $0x4400;
	(pc) =	sbr.rel @p0 .LBB2_9-.Ltmp4, $3  }
0x90: {  	[sflag:s13] =	ssyncset.done $0x0  }
0x91: {  	[sflag:s13] =	ssyncadd.s32 $0xFFFFBC00  }
0x92: {  	[bflag:$0x0] =	sbarrier.arrive $0xFFFF;
	_ =	sdelay $0x1  }
0x93: {  	s0 =	simm.s32 $0xFFFFFFFE  }
0x94: {  	s22 =	simm.s32 $0x4;
	s0 =	smulhi.u32 $0xAAAAAAAB, s0  }
0x95: {  	s21 =	simm.s32 $0x0;
	s5 =	smulhi.u32 $0xAAAAAAAB, s22  }
0x96: {  	s3 =	smulhi.u32 $0xAAAAAAAB, s21;
	s0 =	sshrl.u32 s0, $0x2  }
0x97: {  	p2 =	sle.s32 s19, $0x4;
	s8 =	sshrl.u32 s5, $0x2;
	s16 =	smul.u32 $0xFFFFFFE8, s0  }
0x98: {  	s23 =	sadd.s32 @!p2 $0x200, s24;
	s25 =	smul.u32 $0xFFFA0000, s8  }
0x99: {  	p3 =	por $0x1, $0x1;
	p4 =	slt.s32 @!p2 s23, $0x18620;
	s26 =	smul.u32 $0xFFFFFFE8, s8  }
0x9a: {  	p4 =	por !p4, p2;
	s0 =	sshrl.u32 s3, $0x2;
	s3 =	smul.u32 $0xFFFFF400, s8  }
0x9b: {  	s28 =	simm.s32 @!p2 $0x0;
	s23 =	simm.s32 @p4 $0x18620;
	s9 =	smul.u32 $0xFFFFFFE8, s0  }
0x9c: {  	s30 =	sshrl.u32 @!p2 s23, $0x3;
	s23 =	sshll.u32 @!p2 s23, $0x4;
	s16 =	sshra.s32 s16, $0x2  }
0x9d: {  	s25 =	sshra.s32 s25, $0x2;
	s3 =	sshra.s32 s3, $0x2;
	s16 =	sadd.s32 $0x5, s16  }
0x9e: {  	s26 =	sshra.s32 s26, $0x2;
	s30 =	sadd.s32 @!p2 s2, s30;
	s16 =	sadd.s32 @!p3 $0x0, s16  }
0x9f: {  	s5 =	sshra.s32 s9, $0x2;
	s26 =	sadd.s32 $0x5, s26;
	_ =	swait.ge @!p3 [sflag:s16], $0x4000  }
0xa0: {  	s3 =	sadd.s32 $0x280, s3;
	s29 =	sor.u32 $0x1, s5;
	[sflag:s16] =	ssyncset.done @!p3 $0x0  }
0xa1: {  	s3 =	sadd.s32 @!p2 $0x0, s3;
	[sflag:s16] =	ssyncadd.s32 @!p3 $0xFFFFC000;
	s16 =	sadd.s32 @!p2 $0x0, s26  }
0xa2: {  	[tilespmem:s3], [sflag:s16] =	stream.linear.gather @!p2 [hbm4b:s30+s28], $0x80, $0x38;
	[tilespmem:$0x1CB80] =	vst v63  }
0xa3: {  	s23 =	sadd.s32 @!p2 s1, s23;
	s10 =	sadd.s32 $0x0, s29;
	s3 =	sadd.s32 $0x10380, s25  }
0xa4: {  	[tilespmem:s3], [sflag:s16] =	stream.linear.gather @!p2 [hbm4b:s23+s28], $0x4000, $0x38;
	[tilespmem:$0x1CB80] =	vst v63  }
0xa5: {  	_ =	swait.ge [sflag:s10], $0x80  }
0xa6: {  	s11 =	smul.u32 $0xFFFFF400, s0;
	[sflag:s10] =	ssyncset.done $0x0  }
0xa7: {  	[sflag:s10] =	ssyncadd.s32 $0xFFFFFF80  }
0xa8: {  	p3 =	sgt.s32 s18, s24;
	s3 =	sshra.s32 s11, $0x2;
	_ =	swait.ge [sflag:s10], $0x4000  }
0xa9: {  	s23 =	sadd.s32 $0x80, s24;
	s12 =	sor.u32 $0x80, s3;
	[sflag:s10] =	ssyncset.done $0x0  }
0xaa: {  	p2 =	slt.s32 s24, $0x18620;
	s15 =	sadd.s32 $0x0, s12;
	[sflag:s10] =	ssyncadd.s32 $0xFFFFC000  }
0xab: {  	s16 =	smov.u32 s24;
	p4 =	slt.s32 s20, s23;
	s26 =	smov.u32 s23;
	v20 =	vld [tilespmem:s15+$0x0]  }
0xac: {  	s24 =	smov.u32 @p3 s18;
	s16 =	simm.s32 @!p2 $0x18620;
	s26 =	smov.u32 @p4 s20  }
0xad: {  	s26 =	ssub.s32 s26, s16;
	s16 =	ssub.s32 s24, s16  }
0xae: {  	v19 =	vmov s26;
	v21 =	vmov s16  }
0xaf: {  	vm0 =	vgt.s32 v19, v0;
	vm1 =	vlt.s32 v21, v3  }
0xb0: {  	s3 =	sadd.s32 $0x18380, s3;
	vm0 =	vmand vm1, vm0;
	v20 =	vsub.s32 v20, v1  }
0xb1: {  	s29 =	sadd.s32 $0x0, s3;
	v20 =	vsel vm0, v20, v4  }
0xb2: {  	[tilespmem:s29+$0x0] =	vst v20  }
0xb3: {  	v20 =	vld [tilespmem:s15+$0x10];
	_ =	sdelay $0x3  }
0xb4: {  	vm1 =	vlt.s32 v21, v5;
	vm0 =	vgt.s32 v19, v6  }
0xb5: {  	vm0 =	vmand vm1, vm0;
	v20 =	vsub.s32 v20, v1  }
0xb6: {  	v20 =	vsel vm0, v20, v4  }
0xb7: {  	[tilespmem:s29+$0x10] =	vst v20  }
0xb8: {  	v20 =	vld [tilespmem:s15+$0x20];
	_ =	sdelay $0x3  }
0xb9: {  	vm1 =	vgt.s32 v19, v8;
	vm0 =	vlt.s32 v21, v7  }
0xba: {  	vm0 =	vmand vm0, vm1;
	v20 =	vsub.s32 v20, v1  }
0xbb: {  	v20 =	vsel vm0, v20, v4  }
0xbc: {  	[tilespmem:s29+$0x20] =	vst v20  }
0xbd: {  	v20 =	vld [tilespmem:s15+$0x30];
	_ =	sdelay $0x3  }
0xbe: {  	vm1 =	vgt.s32 v19, v10;
	vm0 =	vlt.s32 v21, v9  }
0xbf: {  	vm0 =	vmand vm0, vm1;
	v20 =	vsub.s32 v20, v1  }
0xc0: {  	v20 =	vsel vm0, v20, v4  }
0xc1: {  	[tilespmem:s29+$0x30] =	vst v20  }
0xc2: {  	v20 =	vld [tilespmem:s15+$0x40];
	_ =	sdelay $0x3  }
0xc3: {  	vm1 =	vgt.s32 v19, v12;
	vm0 =	vlt.s32 v21, v11  }
0xc4: {  	vm0 =	vmand vm0, vm1;
	v20 =	vsub.s32 v20, v1  }
0xc5: {  	v20 =	vsel vm0, v20, v4  }
0xc6: {  	[tilespmem:s29+$0x40] =	vst v20  }
0xc7: {  	v20 =	vld [tilespmem:s15+$0x50];
	_ =	sdelay $0x3  }
0xc8: {  	vm1 =	vgt.s32 v19, v14;
	vm0 =	vlt.s32 v21, v13  }
0xc9: {  	vm0 =	vmand vm0, vm1;
	v20 =	vsub.s32 v20, v1  }
0xca: {  	v20 =	vsel vm0, v20, v4  }
0xcb: {  	[tilespmem:s29+$0x50] =	vst v20  }
0xcc: {  	v20 =	vld [tilespmem:s15+$0x60];
	_ =	sdelay $0x3  }
0xcd: {  	vm1 =	vgt.s32 v19, v16;
	vm0 =	vlt.s32 v21, v15  }
0xce: {  	vm0 =	vmand vm0, vm1;
	v20 =	vsub.s32 v20, v1  }
0xcf: {  	p2 =	sne.s32 s19, $0x1;
	v20 =	vsel vm0, v20, v4  }
.Ltmp5:
0xd0: {  	[tilespmem:s29+$0x60] =	vst v20;
	(pc) =	sbr.rel @!p2 .LBB2_8-.Ltmp5, $4  }
0xd1: {  	s31 =	simm.s32 $0x1;
	v20 =	vld [tilespmem:s15+$0x70]  }
0xd2: {  	s30 =	simm.s32 $0x0;
	s25 =	simm.s32 $0xFFFFFFFF;
	s26 =	smul.u32 $0xFFFA0000, s0  }
0xd3: {  	s28 =	simm.s32 $0x14380;
	s3 =	simm.s32 $0x380;
	s24 =	simm.s32 $0x4380  }
0xd4: {  	s0 =	sadd.s32 $0x7, s5;
	s16 =	sshra.s32 s26, $0x2;
	s26 =	simm.s32 $0x200;
	vm0 =	vlt.s32 v21, v17  }
.LBB2_7:
0xd5: {  	s5 =	smulhi.u32 $0xAAAAAAAB, s25;
	s21 =	sadd.s32 $0x4, s21;
	s22 =	sadd.s32 $0x1, s22  }
0xd6: {  	s8 =	smulhi.u32 $0xAAAAAAAB, s31;
	s16 =	sadd.s32 s16, s3;
	vm1 =	vgt.s32 v19, v18;
	s0 =	sadd.s32 s30, s0  }
0xd7: {  	p3 =	slt.u32 s31, $0x2;
	vm0 =	vmand vm0, vm1;
	s3 =	sshrl.u32 s5, $0x2;
	s5 =	smulhi.u32 $0xAAAAAAAB, s22  }
0xd8: {  	v19 =	vsub.s32 v20, v1;
	s30 =	smul.u32 $0xFFFFFFE8, s3;
	s3 =	sshrl.u32 s8, $0x2;
	s8 =	sadd.s32 $0x4, s31  }
0xd9: {  	v19 =	vsel vm0, v19, v4;
	s5 =	sshrl.u32 s5, $0x2;
	s31 =	smul.u32 $0xFFFFFFE8, s3;
	p2 =	sge.s32 s8, s19  }
0xda: {  	s30 =	sshra.s32 s30, $0x2;
	s9 =	sadd.s32 @!p2 $0x200, s23;
	s10 =	sshra.s32 @!p2 s26, $0x2;
	[tilespmem:s29+$0x70] =	vst v19  }
0xdb: {  	[spmem:s4] =	stream.indirect.scatter.add.f32 [tilespmem:s16], [sflag:s0], $0x80, s29, s14, $0xb8;
	[tilespmem:$0x1CB80] =	vst v63  }
0xdc: {  	s0 =	sadd.s32 $0x5, s30;
	s16 =	sshra.s32 s31, $0x2;
	p4 =	slt.s32 @!p2 s9, $0x18620  }
0xdd: {  	s29 =	smul.u32 $0xFFFA0000, s5;
	s30 =	sshra.s32 @!p3 s21, $0x2;
	p4 =	por !p4, p2  }
0xde: {  	s11 =	simm.s32 @!p2 $0x0;
	s31 =	smul.u32 $0xFFFFFFE8, s5;
	s0 =	sadd.s32 @!p3 s30, s0  }
0xdf: {  	s5 =	smul.u32 $0xFFFFF400, s5;
	s30 =	sshra.s32 @!p2 s21, $0x2;
	s9 =	simm.s32 @p4 $0x18620  }
0xe0: {  	s12 =	sor.u32 $0x1, s16;
	s29 =	sshra.s32 s29, $0x2;
	_ =	swait.ge @!p3 [sflag:s0], $0x4000  }
0xe1: {  	s5 =	sshra.s32 s5, $0x2;
	s15 =	sshrl.u32 @!p2 s9, $0x3;
	s9 =	sshll.u32 @!p2 s9, $0x4  }
0xe2: {  	s31 =	sshra.s32 s31, $0x2;
	s29 =	sadd.s32 s29, s28;
	s9 =	sadd.s32 @!p2 s1, s9  }
0xe3: {  	s31 =	sadd.s32 $0x5, s31;
	s15 =	sadd.s32 @!p2 s2, s15;
	[sflag:s0] =	ssyncset.done @!p3 $0x0  }
0xe4: {  	s5 =	sadd.s32 $0x280, s5;
	[sflag:s0] =	ssyncadd.s32 @!p3 $0xFFFFC000;
	s0 =	sadd.s32 @!p2 s30, s31  }
0xe5: {  	s5 =	sadd.s32 @!p2 s10, s5;
	s31 =	smul.u32 $0xFFFFF400, s3;
	s30 =	sshra.s32 s21, $0x2  }
0xe6: {  	[tilespmem:s5], [sflag:s0] =	stream.linear.gather @!p2 [hbm4b:s15+s11], $0x80, $0x38;
	[tilespmem:$0x1CB80] =	vst v63  }
0xe7: {  	s5 =	sshra.s32 s31, $0x2  }
0xe8: {  	s10 =	sadd.s32 s30, s12;
	s31 =	sadd.s32 $0xFFFFFFFD, s8;
	s8 =	sadd.s32 $0x18380, s5  }
0xe9: {  	[tilespmem:s29], [sflag:s0] =	stream.linear.gather @!p2 [hbm4b:s9+s11], $0x4000, $0x38;
	[tilespmem:$0x1CB80] =	vst v63  }
0xea: {  	s5 =	sor.u32 $0x80, s5;
	s0 =	sadd.s32 $0x7, s16;
	_ =	swait.ge [sflag:s10], $0x80  }
0xeb: {  	p2 =	sne.s32 s31, s19;
	s9 =	smul.u32 $0xFFFA0000, s3;
	[sflag:s10] =	ssyncset.done $0x0  }
0xec: {  	s11 =	smov.u32 s23;
	s3 =	smov.u32 s24;
	[sflag:s10] =	ssyncadd.s32 $0xFFFFFF80  }
0xed: {  	s23 =	sadd.s32 $0x80, s23;
	p3 =	slt.s32 s11, $0x18620;
	_ =	swait.ge [sflag:s10], $0x4000  }
0xee: {  	s16 =	sshra.s32 s9, $0x2;
	s9 =	sshra.s32 s26, $0x2;
	[sflag:s10] =	ssyncset.done $0x0  }
0xef: {  	p4 =	sgt.s32 s18, s11;
	s5 =	sadd.s32 s9, s5;
	[sflag:s10] =	ssyncadd.s32 $0xFFFFC000  }
0xf0: {  	p5 =	slt.s32 s20, s23;
	s12 =	smov.u32 s23;
	s10 =	smov.u32 s11;
	v20 =	vld [tilespmem:s5+$0x0]  }
0xf1: {  	s12 =	smov.u32 @p5 s20;
	s10 =	simm.s32 @!p3 $0x18620  }
0xf2: {  	s11 =	smov.u32 @p4 s18;
	s12 =	ssub.s32 s12, s10  }
0xf3: {  	s10 =	ssub.s32 s11, s10;
	v19 =	vmov s12  }
0xf4: {  	v21 =	vmov s10;
	vm0 =	vgt.s32 v19, v0;
	vm1 =	vgt.s32 v19, v6  }
0xf5: {  	vm2 =	vlt.s32 v21, v3;
	vm3 =	vlt.s32 v21, v5;
	v20 =	vsub.s32 v20, v1  }
0xf6: {  	s29 =	sadd.s32 s9, s8;
	vm4 =	vlt.s32 v21, v9;
	vm0 =	vmand vm2, vm0;
	vm5 =	vmand vm3, vm1  }
0xf7: {  	vm3 =	vlt.s32 v21, v11;
	vm2 =	vlt.s32 v21, v13;
	v20 =	vsel vm0, v20, v4  }
0xf8: {  	vm1 =	vlt.s32 v21, v15;
	vm0 =	vlt.s32 v21, v17;
	[tilespmem:s29+$0x0] =	vst v20  }
0xf9: {  	v20 =	vld [tilespmem:s5+$0x10];
	_ =	sdelay $0x4  }
0xfa: {  	v20 =	vsub.s32 v20, v1  }
0xfb: {  	v20 =	vsel vm5, v20, v4  }
0xfc: {  	[tilespmem:s29+$0x10] =	vst v20  }
0xfd: {  	v20 =	vld [tilespmem:s5+$0x20];
	_ =	sdelay $0x2  }
0xfe: {  	vm6 =	vgt.s32 v19, v8;
	vm5 =	vlt.s32 v21, v7  }
0xff: {  	vm5 =	vmand vm5, vm6  }
0x100: {  	v20 =	vsub.s32 v20, v1  }
0x101: {  	v20 =	vsel vm5, v20, v4  }
0x102: {  	[tilespmem:s29+$0x20] =	vst v20  }
0x103: {  	v20 =	vld [tilespmem:s5+$0x30];
	_ =	sdelay $0x2  }
0x104: {  	vm5 =	vgt.s32 v19, v10  }
0x105: {  	vm4 =	vmand vm4, vm5  }
0x106: {  	v20 =	vsub.s32 v20, v1  }
0x107: {  	v20 =	vsel vm4, v20, v4  }
0x108: {  	[tilespmem:s29+$0x30] =	vst v20  }
0x109: {  	v20 =	vld [tilespmem:s5+$0x40];
	_ =	sdelay $0x2  }
0x10a: {  	vm4 =	vgt.s32 v19, v12  }
0x10b: {  	vm3 =	vmand vm3, vm4  }
0x10c: {  	v20 =	vsub.s32 v20, v1  }
0x10d: {  	v20 =	vsel vm3, v20, v4  }
0x10e: {  	[tilespmem:s29+$0x40] =	vst v20  }
0x10f: {  	v20 =	vld [tilespmem:s5+$0x50];
	_ =	sdelay $0x2  }
0x110: {  	vm3 =	vgt.s32 v19, v14  }
0x111: {  	vm2 =	vmand vm2, vm3  }
0x112: {  	v20 =	vsub.s32 v20, v1  }
0x113: {  	v20 =	vsel vm2, v20, v4  }
0x114: {  	[tilespmem:s29+$0x50] =	vst v20  }
0x115: {  	v20 =	vld [tilespmem:s5+$0x60];
	_ =	sdelay $0x2  }
0x116: {  	vm2 =	vgt.s32 v19, v16  }
0x117: {  	vm1 =	vmand vm1, vm2  }
.Ltmp6:
0x118: {  	v20 =	vsub.s32 v20, v1;
	(pc) =	sbr.rel @p2 .LBB2_7-.Ltmp6, $4  }
0x119: {  	v20 =	vsel vm1, v20, v4  }
0x11a: {  	[tilespmem:s29+$0x60] =	vst v20  }
0x11b: {  	s24 =	sadd.s32 $0x4000, s24;
	v20 =	vld [tilespmem:s5+$0x70]  }
0x11c: {  	s25 =	sadd.s32 $0x1, s25;
	s28 =	sadd.s32 $0x4000, s28;
	s26 =	sadd.s32 $0x200, s26  }
.Ltmp7:
0x11d: {  	_ = 	snop;
	(pc) =	sbr.rel .LBB2_8-.Ltmp7, $1  }
0x11e: {  	_ =	sdelay $0x3  }
.LBB2_10:
0x11f: {  	_ =	sfence.sel $0x180000  }
0x120: {  	[bflag:$0x0] =	sbarrier.arrive $0xFFFF  }
0x121: {  	_ =	strace $0x90000047  }
0x122: {  	s0 =	stileid.u32;
	[bflag:$0x2] =	sbarrier.arrive $0xFFFF  }
0x123: {  	p0 =	sne.s32 s0, $0x0;
	s0 =	rddreg [dreg:$0x5]  }
0x124: {  	s0 =	sadd.s32 @!p0 $0x100000, s0  }
0x125: {  	[sflag:s0] =	ssyncadd.tile.s32 @!p0 $0x1;
	_ =	shalt  }
.Lfunc_end2:
_tile_overlayer_lowered:
.L_overlay_start_2:
0x126: {  	(tag) =	ssettag $0x2  }
0x127: {  	s0 =	rddreg [dreg:$0x0];
	s2 =	stileid.u32  }
0x128: {  	s1 =	rddreg [dreg:$0x1];
	p0 =	sne.s32 s2, $0x0  }
0x129: {  	s3 =	rddreg [dreg:$0x2];
	[bflag:$0x3] =	sbarrier.arrive $0xFFFF;
	s2 =	simm.s32 @!p0 $0x1C0D  }
0x12a: {  	[timem:s3], [sflag:s2] =	dma.local @!p0 [hbm:s0], s1  }
0x12b: {  	s0 =	simm.s32 @!p0 $0xD  }
0x12c: {  	_ =	swait.ge @!p0 [sflag:s0], s1  }
0x12d: {  	s1 =	ssub.s32 @!p0 $0x0, s1;
	[sflag:s0] =	ssyncset.done @!p0 $0x0  }
0x12e: {  	[sflag:s0] =	ssyncadd.s32 @!p0 s1  }
0x12f: {  	[bflag:$0x3] =	sbarrier.arrive $0xFFFF  }
0x130: {  	_ =	shalt  }

</sc_bundles>
